<compile_context>
chip_gen: v7x
topology: tpu7x:2x2x1
jax: 0.10.2.dev20260603
libtpu: 0.0.44.dev20260713+nightly
codegen_flags: <defaults>
</compile_context>

<pallas_src>
import functools

import jax
import jax.numpy as jnp
from jax import lax
from jax.experimental import pallas as pl
from jax.experimental.pallas import tpu as pltpu
from jax.experimental.pallas import tpu_sc as plsc


def _prep_body(m, x_ref, scale_ref, bias_ref, w1a_ref, w1b_ref, b1_ref,
               idx_ref, a_ref, g_ref, idxo_ref):
    xb = x_ref[...]
    mean = jnp.mean(xb, axis=1, keepdims=True)
    var = jnp.mean(jnp.square(xb - mean), axis=1, keepdims=True)
    xn = (xb - mean) * lax.rsqrt(var + 1e-6) * scale_ref[...] + bias_ref[...]
    a_ref[...] = (jnp.dot(xn, w1a_ref[...], preferred_element_type=jnp.float32)
                  + b1_ref[...])
    g_ref[...] = jnp.dot(xn, w1b_ref[...], preferred_element_type=jnp.float32)
    bn = idx_ref.shape[0]
    k = 128 // m
    y = idx_ref[...].reshape(bn // k, k, m)
    idxo_ref[...] = jnp.concatenate([y[:, i, :] for i in range(k)], axis=1)


def _prep(x, ln_scale, ln_bias, w1a, w1b, b1, idx):
    n, d = x.shape
    m = idx.shape[1]
    return pl.pallas_call(
        functools.partial(_prep_body, m),
        out_shape=[
            jax.ShapeDtypeStruct((n, d), jnp.float32),
            jax.ShapeDtypeStruct((n, d), jnp.float32),
            jax.ShapeDtypeStruct((n * m // 128, 128), jnp.int32),
        ],
    )(x, ln_scale, ln_bias, w1a, w1b, b1, idx)


def _make_gather(n_edges, d, chunk=400):
    info = plsc.get_sparse_core_info()
    nw = info.num_cores * info.num_subcores
    n_ch_total = n_edges // chunk
    mesh = plsc.VectorSubcoreMesh(core_axis_name="c", subcore_axis_name="s")

    @functools.partial(
        pl.kernel,
        mesh=mesh,
        out_type=jax.ShapeDtypeStruct((n_edges, d), jnp.float32),
        scratch_types=[
            pltpu.VMEM((chunk,), jnp.int32),
            pltpu.VMEM((chunk,), jnp.int32),
            pltpu.VMEM((chunk, d), jnp.float32),
            pltpu.VMEM((chunk, d), jnp.float32),
            pltpu.SemaphoreType.DMA,
            pltpu.SemaphoreType.DMA,
            pltpu.SemaphoreType.DMA,
            pltpu.SemaphoreType.DMA,
            pltpu.SemaphoreType.DMA,
            pltpu.SemaphoreType.DMA,
        ],
    )
    def gather_k(table_hbm, idx_hbm, out_hbm, idx0, idx1, rows0, rows1,
                 si0, si1, sg0, sg1, ss0, ss1):
        c = lax.axis_index("c")
        s = lax.axis_index("s")
        wid = s * info.num_cores + c
        c0 = (n_ch_total * wid) // nw
        c1 = (n_ch_total * (wid + 1)) // nw
        nc = c1 - c0
        idx_v = (idx0, idx1)
        rows_v = (rows0, rows1)
        sem_i = (si0, si1)
        sem_g = (sg0, sg1)
        sem_s = (ss0, ss1)

        def _idx_start(j, b):
            base = pl.multiple_of((c0 + j) * chunk, 8)
            pltpu.async_copy(idx_hbm.at[pl.ds(base, chunk)], idx_v[b],
                             sem_i[b])

        def _chunk(j, b, first):
            @pl.when(jnp.logical_not(first))
            def _():
                pltpu.make_async_copy(
                    rows_v[b], out_hbm.at[pl.ds(0, chunk)], sem_s[b]).wait()

            pltpu.make_async_copy(
                idx_hbm.at[pl.ds(0, chunk)], idx_v[b], sem_i[b]).wait()
            pltpu.async_copy(table_hbm.at[idx_v[b]], rows_v[b],
                             sem_g[b]).wait()

            @pl.when(j + 2 < nc)
            def _():
                _idx_start(j + 2, b)

            base = pl.multiple_of((c0 + j) * chunk, 8)
            pltpu.async_copy(rows_v[b], out_hbm.at[pl.ds(base, chunk)],
                             sem_s[b])

        _idx_start(0, 0)
        _idx_start(1, 1)

        def body(t, carry):
            _chunk(2 * t, 0, t == 0)
            _chunk(2 * t + 1, 1, t == 0)
            return carry

        lax.fori_loop(0, nc // 2, body, 0)

        @pl.when((nc % 2) == 1)
        def _():
            _chunk(nc - 1, 0, nc == 1)

        for b in (0, 1):
            pltpu.make_async_copy(
                rows_v[b], out_hbm.at[pl.ds(0, chunk)], sem_s[b]).wait()

    return gather_k


def _main_body(m, gg_ref, nbr_ref, a_ref, x_ref, w1c_ref, w2_ref, b2_ref,
               out_ref):
    bn, d = a_ref.shape
    r = bn * m
    f = jnp.dot(nbr_ref[...], w1c_ref[...], preferred_element_type=jnp.float32)
    a_rep = jnp.broadcast_to(a_ref[...][:, None, :], (bn, m, d)).reshape(r, d)
    pre = gg_ref[...] + f + a_rep
    s = pre * (1.0 / (1.0 + jnp.exp(-pre)))
    h = jnp.sum(s.reshape(bn, m, d), axis=1)
    out_ref[...] = (x_ref[...]
                    + jnp.dot(h, w2_ref[...], preferred_element_type=jnp.float32)
                    + b2_ref[...])


def _main(gg, nbr_flat, a, x, w1c, w2, b2m, m, block_n):
    n, d = x.shape
    e = nbr_flat.shape[1]
    grid = n // block_n
    br = block_n * m
    return pl.pallas_call(
        functools.partial(_main_body, m),
        grid=(grid,),
        in_specs=[
            pl.BlockSpec((br, d), lambda i: (i, 0)),
            pl.BlockSpec((br, e), lambda i: (i, 0)),
            pl.BlockSpec((block_n, d), lambda i: (i, 0)),
            pl.BlockSpec((block_n, d), lambda i: (i, 0)),
            pl.BlockSpec((e, d), lambda i: (0, 0)),
            pl.BlockSpec((d, d), lambda i: (0, 0)),
            pl.BlockSpec((1, d), lambda i: (0, 0)),
        ],
        out_specs=pl.BlockSpec((block_n, d), lambda i: (i, 0)),
        out_shape=jax.ShapeDtypeStruct((n, d), jnp.float32),
    )(gg, nbr_flat, a, x, w1c, w2, b2m)


def kernel(x, nbr_fea, nbr_fea_idx, ln_scale, ln_bias, W1, b1, W2, b2):
    n, d = x.shape
    m = nbr_fea_idx.shape[1]
    e = nbr_fea.shape[2]

    w1a = W1[:d]
    w1b = W1[d:2 * d]
    w1c = W1[2 * d:]

    a, g, idx128 = _prep(x, ln_scale.reshape(1, d), ln_bias.reshape(1, d),
                         w1a, w1b, b1.reshape(1, d),
                         nbr_fea_idx.astype(jnp.int32))

    gg = _make_gather(n * m, d)(g, idx128.reshape(n * m))

    nbr_flat = nbr_fea.reshape(n * m, e)
    b2m = (b2 * float(m)).reshape(1, d)
    return _main(gg, nbr_flat, a, x, w1c, W2, b2m, m, block_n=200)

# --- scband reference (transcript-rebuilt; emitter-appended) ---
"""Pipeline reference for scband-concat-conv-layer-28149215658670 (READ-ONLY COPY).

The authoritative reference and input builder live on the scoring server;
editing this copy changes nothing except your own understanding.
"""

import jax, jax.numpy as jnp
import numpy as np

N, M, D, E = 10000, 32, 128, 16

def setup_inputs(seed: int = 0) -> dict:
    key = jax.random.key(seed)
    k1, k2, k3, k4, k5 = jax.random.split(key, 5)
    x = jax.random.normal(k1, (N, D), dtype=jnp.float32)
    nbr_fea = jax.random.normal(k2, (N, M, E), dtype=jnp.float32)
    nbr_fea_idx = jax.random.randint(k3, (N, M), 0, N)
    ln_scale = jnp.ones((D,), dtype=jnp.float32)
    ln_bias = jnp.zeros((D,), dtype=jnp.float32)
    W1 = jax.random.normal(k4, (2 * D + E, D), dtype=jnp.float32) * 0.05
    b1 = jnp.zeros((D,), dtype=jnp.float32)
    W2 = jax.random.normal(k5, (D, D), dtype=jnp.float32) * 0.05
    b2 = jnp.zeros((D,), dtype=jnp.float32)
    return {"x": x, "nbr_fea": nbr_fea, "nbr_fea_idx": nbr_fea_idx,
            "ln_scale": ln_scale, "ln_bias": ln_bias,
            "W1": W1, "b1": b1, "W2": W2, "b2": b2}

def _layer_norm(x, scale, bias, eps=1e-6):
    mean = jnp.mean(x, axis=-1, keepdims=True)
    var = jnp.mean(jnp.square(x - mean), axis=-1, keepdims=True)
    return (x - mean) * jax.lax.rsqrt(var + eps) * scale + bias

def reference(x, nbr_fea, nbr_fea_idx, ln_scale, ln_bias, W1, b1, W2, b2):
    x_normed = _layer_norm(x, ln_scale, ln_bias)
    x_nbr = jnp.take(x_normed, nbr_fea_idx, axis=0)            # [N, M, D] gather
    x_center = jnp.tile(x_normed[:, None, :], (1, M, 1))        # [N, M, D]
    concat = jnp.concatenate([x_center, x_nbr, nbr_fea], axis=-1)  # [N, M, 2D+E]
    h = jax.nn.silu(jnp.dot(concat, W1) + b1)
    msg = jnp.dot(h, W2) + b2                                   # [N, M, D]
    agg = jnp.sum(msg, axis=1)                                  # [N, D]
    return x + agg

if __name__ == "__main__":
    import jax
    _d = setup_inputs()
    print(jax.jit(kernel)(*tuple(_d.values())))

</pallas_src>

<mosaic_0001>
#map = affine_map<(d0, d1) -> (0, 0)>
#map1 = affine_map<(d0, d1) -> (0)>
module attributes {stable_mosaic.version = 14 : i64} {
  func.func @gather_k(%arg0: i32, %arg1: i32, %arg2: memref<10000x128xf32, #tpu.memory_space<hbm>>, %arg3: memref<320000xi32, #tpu.memory_space<hbm>>, %arg4: memref<320000x128xf32, #tpu.memory_space<hbm>>, %arg5: memref<400xi32, #tpu.memory_space<vmem>>, %arg6: memref<400xi32, #tpu.memory_space<vmem>>, %arg7: memref<400x128xf32, #tpu.memory_space<vmem>>, %arg8: memref<400x128xf32, #tpu.memory_space<vmem>>, %arg9: memref<!tpu.dma_semaphore, #tpu.memory_space<semaphore_mem>>, %arg10: memref<!tpu.dma_semaphore, #tpu.memory_space<semaphore_mem>>, %arg11: memref<!tpu.dma_semaphore, #tpu.memory_space<semaphore_mem>>, %arg12: memref<!tpu.dma_semaphore, #tpu.memory_space<semaphore_mem>>, %arg13: memref<!tpu.dma_semaphore, #tpu.memory_space<semaphore_mem>>, %arg14: memref<!tpu.dma_semaphore, #tpu.memory_space<semaphore_mem>>) attributes {dimension_semantics = [#tpu.dimension_semantics<core_parallel>, #tpu.dimension_semantics<subcore_parallel>], iteration_bounds = array<i64: 2, 16>, scalar_prefetch = 0 : i64, scratch_operands = 10 : i64, tpu.core_type = #tpu.core_type<sc_vector_subcore>, window_params = [{transform_indices = #map}, {transform_indices = #map1}, {transform_indices = #map}]} {
    %mul3A = arith.constant 2 : i32
    %mul3A_0 = arith.muli %arg1, %mul3A : i32
    %add3A = arith.addi %mul3A_0, %arg0 : i32
    %mul3A_1 = arith.constant 800 : i32
    %mul3A_2 = arith.muli %mul3A_1, %add3A : i32
    %jit3A = arith.constant 32 : i32
    %div3A = arith.divsi %mul3A_2, %jit3A : i32
    %sign3A = arith.constant 0 : i32
    %sign3A_3 = arith.cmpi sgt, %mul3A_2, %sign3A : i32
    %sign3A_4 = arith.extui %sign3A_3 : i1 to i32
    %sign3A_5 = arith.constant 0 : i32
    %sign3A_6 = arith.cmpi slt, %mul3A_2, %sign3A_5 : i32
    %sign3A_7 = arith.extui %sign3A_6 : i1 to i32
    %sign3A_8 = arith.subi %sign3A_4, %sign3A_7 : i32
    %sign3A_9 = arith.constant 0 : i32
    %sign3A_10 = arith.cmpi sgt, %jit3A, %sign3A_9 : i32
    %sign3A_11 = arith.extui %sign3A_10 : i1 to i32
    %sign3A_12 = arith.constant 0 : i32
    %sign3A_13 = arith.cmpi slt, %jit3A, %sign3A_12 : i32
    %sign3A_14 = arith.extui %sign3A_13 : i1 to i32
    %sign3A_15 = arith.subi %sign3A_11, %sign3A_14 : i32
    %ne3A = arith.cmpi ne, %sign3A_8, %sign3A_15 : i32
    %rem3A = arith.remsi %mul3A_2, %jit3A : i32
    %ne3A_16 = arith.constant 0 : i32
    %ne3A_17 = arith.cmpi ne, %rem3A, %ne3A_16 : i32
    %and3A = arith.andi %ne3A, %ne3A_17 : i1
    %sub3A = arith.constant 1 : i32
    %sub3A_18 = arith.subi %div3A, %sub3A : i32
    %select_n3A = arith.select %and3A, %sub3A_18, %div3A : i32
    %add3A_19 = arith.constant 1 : i32
    %add3A_20 = arith.addi %add3A, %add3A_19 : i32
    %mul3A_21 = arith.constant 800 : i32
    %mul3A_22 = arith.muli %mul3A_21, %add3A_20 : i32
    %jit3A_23 = arith.constant 32 : i32
    %div3A_24 = arith.divsi %mul3A_22, %jit3A_23 : i32
    %sign3A_25 = arith.constant 0 : i32
    %sign3A_26 = arith.cmpi sgt, %mul3A_22, %sign3A_25 : i32
    %sign3A_27 = arith.extui %sign3A_26 : i1 to i32
    %sign3A_28 = arith.constant 0 : i32
    %sign3A_29 = arith.cmpi slt, %mul3A_22, %sign3A_28 : i32
    %sign3A_30 = arith.extui %sign3A_29 : i1 to i32
    %sign3A_31 = arith.subi %sign3A_27, %sign3A_30 : i32
    %sign3A_32 = arith.constant 0 : i32
    %sign3A_33 = arith.cmpi sgt, %jit3A_23, %sign3A_32 : i32
    %sign3A_34 = arith.extui %sign3A_33 : i1 to i32
    %sign3A_35 = arith.constant 0 : i32
    %sign3A_36 = arith.cmpi slt, %jit3A_23, %sign3A_35 : i32
    %sign3A_37 = arith.extui %sign3A_36 : i1 to i32
    %sign3A_38 = arith.subi %sign3A_34, %sign3A_37 : i32
    %ne3A_39 = arith.cmpi ne, %sign3A_31, %sign3A_38 : i32
    %rem3A_40 = arith.remsi %mul3A_22, %jit3A_23 : i32
    %ne3A_41 = arith.constant 0 : i32
    %ne3A_42 = arith.cmpi ne, %rem3A_40, %ne3A_41 : i32
    %and3A_43 = arith.andi %ne3A_39, %ne3A_42 : i1
    %sub3A_44 = arith.constant 1 : i32
    %sub3A_45 = arith.subi %div3A_24, %sub3A_44 : i32
    %select_n3A_46 = arith.select %and3A_43, %sub3A_45, %div3A_24 : i32
    %sub3A_47 = arith.subi %select_n3A_46, %select_n3A : i32
    %add3A_48 = arith.constant 0 : i32
    %add3A_49 = arith.addi %select_n3A, %add3A_48 : i32
    %mul3A_50 = arith.constant 400 : i32
    %mul3A_51 = arith.muli %add3A_49, %mul3A_50 : i32
    %multiple_of3A = tpu.assume_multiple %mul3A_51, 8 : i32
    %dma_start3A = tpu.memref_slice %arg3[%multiple_of3A] : memref<320000xi32, #tpu.memory_space<hbm>> -> memref<400xi32, #tpu.memory_space<hbm>>
    %dma_start3A_52 = tpu.memref_slice %arg3[%multiple_of3A] : memref<320000xi32, #tpu.memory_space<hbm>> -> memref<400xi32, #tpu.memory_space<hbm>>
    tpu.enqueue_dma source(%dma_start3A_52 : memref<400xi32, #tpu.memory_space<hbm>>) target(%arg5 : memref<400xi32, #tpu.memory_space<vmem>>) target_semaphore(%arg9 : memref<!tpu.dma_semaphore, #tpu.memory_space<semaphore_mem>>)
    %add3A_53 = arith.constant 1 : i32
    %add3A_54 = arith.addi %select_n3A, %add3A_53 : i32
    %mul3A_55 = arith.constant 400 : i32
    %mul3A_56 = arith.muli %add3A_54, %mul3A_55 : i32
    %multiple_of3A_57 = tpu.assume_multiple %mul3A_56, 8 : i32
    %dma_start3A_58 = tpu.memref_slice %arg3[%multiple_of3A_57] : memref<320000xi32, #tpu.memory_space<hbm>> -> memref<400xi32, #tpu.memory_space<hbm>>
    %dma_start3A_59 = tpu.memref_slice %arg3[%multiple_of3A_57] : memref<320000xi32, #tpu.memory_space<hbm>> -> memref<400xi32, #tpu.memory_space<hbm>>
    tpu.enqueue_dma source(%dma_start3A_59 : memref<400xi32, #tpu.memory_space<hbm>>) target(%arg6 : memref<400xi32, #tpu.memory_space<vmem>>) target_semaphore(%arg10 : memref<!tpu.dma_semaphore, #tpu.memory_space<semaphore_mem>>)
    %jit3A_60 = arith.constant 2 : i32
    %div3A_61 = arith.divsi %sub3A_47, %jit3A_60 : i32
    %sign3A_62 = arith.constant 0 : i32
    %sign3A_63 = arith.cmpi sgt, %sub3A_47, %sign3A_62 : i32
    %sign3A_64 = arith.extui %sign3A_63 : i1 to i32
    %sign3A_65 = arith.constant 0 : i32
    %sign3A_66 = arith.cmpi slt, %sub3A_47, %sign3A_65 : i32
    %sign3A_67 = arith.extui %sign3A_66 : i1 to i32
    %sign3A_68 = arith.subi %sign3A_64, %sign3A_67 : i32
    %sign3A_69 = arith.constant 0 : i32
    %sign3A_70 = arith.cmpi sgt, %jit3A_60, %sign3A_69 : i32
    %sign3A_71 = arith.extui %sign3A_70 : i1 to i32
    %sign3A_72 = arith.constant 0 : i32
    %sign3A_73 = arith.cmpi slt, %jit3A_60, %sign3A_72 : i32
    %sign3A_74 = arith.extui %sign3A_73 : i1 to i32
    %sign3A_75 = arith.subi %sign3A_71, %sign3A_74 : i32
    %ne3A_76 = arith.cmpi ne, %sign3A_68, %sign3A_75 : i32
    %rem3A_77 = arith.remsi %sub3A_47, %jit3A_60 : i32
    %ne3A_78 = arith.constant 0 : i32
    %ne3A_79 = arith.cmpi ne, %rem3A_77, %ne3A_78 : i32
    %and3A_80 = arith.andi %ne3A_76, %ne3A_79 : i1
    %sub3A_81 = arith.constant 1 : i32
    %sub3A_82 = arith.subi %div3A_61, %sub3A_81 : i32
    %select_n3A_83 = arith.select %and3A_80, %sub3A_82, %div3A_61 : i32
    %while3A = arith.constant 0 : i32
    %while3A_84 = arith.constant 0 : i32
    %while3A_85 = arith.subi %select_n3A_83, %while3A_84 : i32
    %while3A_86 = arith.addi %while3A_84, %while3A_85 : i32
    %while3A_87 = arith.constant 1 : i32
    %while3A_88 = arith.divsi %while3A_85, %while3A_87 : i32
    %while3A_89 = arith.muli %while3A_88, %while3A_87 : i32
    %while3A_90 = arith.addi %while3A_84, %while3A_89 : i32
    %while3A_91 = arith.constant 1 : i32
    scf.for %while3A_121 = %while3A_84 to %while3A_90 step %while3A_91  : i32 {
      %mul3A_122 = arith.constant 2 : i32
      %mul3A_123 = arith.muli %mul3A_122, %while3A_121 : i32
      %eq3A_124 = arith.constant 0 : i32
      %eq3A_125 = arith.cmpi eq, %while3A_121, %eq3A_124 : i32
      %not3A = arith.constant true
      %not3A_126 = arith.xori %eq3A_125, %not3A : i1
      %convert_element_type3A_127 = arith.extui %not3A_126 : i1 to i32
      %cond3A_128 = arith.constant 0 : i32
      %cond3A_129 = arith.cmpi ne, %convert_element_type3A_127, %cond3A_128 : i32
      scf.if %cond3A_129 {
        %dma_wait3A_189 = arith.constant 0 : i32
        %dma_wait3A_190 = arith.constant 0 : i32
        %dma_wait3A_191 = tpu.memref_slice %arg4[%dma_wait3A_189, %dma_wait3A_190] : memref<320000x128xf32, #tpu.memory_space<hbm>> -> memref<400x128xf32, #tpu.memory_space<hbm>>
        %dma_wait3A_192 = arith.constant 0 : i32
        %dma_wait3A_193 = arith.constant 0 : i32
        %dma_wait3A_194 = tpu.memref_slice %arg4[%dma_wait3A_192, %dma_wait3A_193] : memref<320000x128xf32, #tpu.memory_space<hbm>> -> memref<400x128xf32, #tpu.memory_space<hbm>>
        tpu.wait_dma2 semaphore(%arg13 : memref<!tpu.dma_semaphore, #tpu.memory_space<semaphore_mem>>) src(%arg7 : memref<400x128xf32, #tpu.memory_space<vmem>>) dst(%dma_wait3A_194 : memref<400x128xf32, #tpu.memory_space<hbm>>)
      } else {
      }
      %dma_wait3A_130 = arith.constant 0 : i32
      %dma_wait3A_131 = tpu.memref_slice %arg3[%dma_wait3A_130] : memref<320000xi32, #tpu.memory_space<hbm>> -> memref<400xi32, #tpu.memory_space<hbm>>
      %dma_wait3A_132 = arith.constant 0 : i32
      %dma_wait3A_133 = tpu.memref_slice %arg3[%dma_wait3A_132] : memref<320000xi32, #tpu.memory_space<hbm>> -> memref<400xi32, #tpu.memory_space<hbm>>
      tpu.wait_dma2 semaphore(%arg9 : memref<!tpu.dma_semaphore, #tpu.memory_space<semaphore_mem>>) src(%dma_wait3A_133 : memref<400xi32, #tpu.memory_space<hbm>>) dst(%arg5 : memref<400xi32, #tpu.memory_space<vmem>>)
      %dma_start3A_134 = arith.constant 0 : i32
      %dma_start3A_135 = arith.constant 0 : i32
      %dma_start3A_136 = tpu.memref_slice %arg2[%dma_start3A_134, %dma_start3A_135] : memref<10000x128xf32, #tpu.memory_space<hbm>> -> memref<10000x128xf32, #tpu.memory_space<hbm>>
      tpu.enqueue_indirect_dma source(%dma_start3A_136 : memref<10000x128xf32, #tpu.memory_space<hbm>>) target(%arg7 : memref<400x128xf32, #tpu.memory_space<vmem>>) offsets(%arg5 : memref<400xi32, #tpu.memory_space<vmem>>) semaphore(%arg11 : memref<!tpu.dma_semaphore, #tpu.memory_space<semaphore_mem>>)
      %dma_wait3A_137 = arith.constant 0 : i32
      %dma_wait3A_138 = arith.constant 0 : i32
      %dma_wait3A_139 = tpu.memref_slice %arg2[%dma_wait3A_137, %dma_wait3A_138] : memref<10000x128xf32, #tpu.memory_space<hbm>> -> memref<10000x128xf32, #tpu.memory_space<hbm>>
      tpu.wait_indirect_dma semaphore(%arg11 : memref<!tpu.dma_semaphore, #tpu.memory_space<semaphore_mem>>) src(%dma_wait3A_139 : memref<10000x128xf32, #tpu.memory_space<hbm>>) dst(%arg7 : memref<400x128xf32, #tpu.memory_space<vmem>>)
      %add3A_140 = arith.constant 2 : i32
      %add3A_141 = arith.addi %mul3A_123, %add3A_140 : i32
      %lt3A_142 = arith.cmpi slt, %add3A_141, %sub3A_47 : i32
      %convert_element_type3A_143 = arith.extui %lt3A_142 : i1 to i32
      %cond3A_144 = arith.constant 0 : i32
      %cond3A_145 = arith.cmpi ne, %convert_element_type3A_143, %cond3A_144 : i32
      scf.if %cond3A_145 {
        %add3A_189 = arith.constant 2 : i32
        %add3A_190 = arith.addi %mul3A_123, %add3A_189 : i32
        %add3A_191 = arith.addi %select_n3A, %add3A_190 : i32
        %mul3A_192 = arith.constant 400 : i32
        %mul3A_193 = arith.muli %add3A_191, %mul3A_192 : i32
        %multiple_of3A_194 = tpu.assume_multiple %mul3A_193, 8 : i32
        %dma_start3A_195 = tpu.memref_slice %arg3[%multiple_of3A_194] : memref<320000xi32, #tpu.memory_space<hbm>> -> memref<400xi32, #tpu.memory_space<hbm>>
        %dma_start3A_196 = tpu.memref_slice %arg3[%multiple_of3A_194] : memref<320000xi32, #tpu.memory_space<hbm>> -> memref<400xi32, #tpu.memory_space<hbm>>
        tpu.enqueue_dma source(%dma_start3A_196 : memref<400xi32, #tpu.memory_space<hbm>>) target(%arg5 : memref<400xi32, #tpu.memory_space<vmem>>) target_semaphore(%arg9 : memref<!tpu.dma_semaphore, #tpu.memory_space<semaphore_mem>>)
      } else {
      }
      %add3A_146 = arith.addi %select_n3A, %mul3A_123 : i32
      %mul3A_147 = arith.constant 400 : i32
      %mul3A_148 = arith.muli %add3A_146, %mul3A_147 : i32
      %multiple_of3A_149 = tpu.assume_multiple %mul3A_148, 8 : i32
      %dma_start3A_150 = arith.constant 0 : i32
      %dma_start3A_151 = tpu.memref_slice %arg4[%multiple_of3A_149, %dma_start3A_150] : memref<320000x128xf32, #tpu.memory_space<hbm>> -> memref<400x128xf32, #tpu.memory_space<hbm>>
      %dma_start3A_152 = arith.constant 0 : i32
      %dma_start3A_153 = tpu.memref_slice %arg4[%multiple_of3A_149, %dma_start3A_152] : memref<320000x128xf32, #tpu.memory_space<hbm>> -> memref<400x128xf32, #tpu.memory_space<hbm>>
      tpu.enqueue_dma source(%arg7 : memref<400x128xf32, #tpu.memory_space<vmem>>) target(%dma_start3A_153 : memref<400x128xf32, #tpu.memory_space<hbm>>) target_semaphore(%arg13 : memref<!tpu.dma_semaphore, #tpu.memory_space<semaphore_mem>>)
      %mul3A_154 = arith.constant 2 : i32
      %mul3A_155 = arith.muli %mul3A_154, %while3A_121 : i32
      %add3A_156 = arith.constant 1 : i32
      %add3A_157 = arith.addi %mul3A_155, %add3A_156 : i32
      %eq3A_158 = arith.constant 0 : i32
      %eq3A_159 = arith.cmpi eq, %while3A_121, %eq3A_158 : i32
      %not3A_160 = arith.constant true
      %not3A_161 = arith.xori %eq3A_159, %not3A_160 : i1
      %convert_element_type3A_162 = arith.extui %not3A_161 : i1 to i32
      %cond3A_163 = arith.constant 0 : i32
      %cond3A_164 = arith.cmpi ne, %convert_element_type3A_162, %cond3A_163 : i32
      scf.if %cond3A_164 {
        %dma_wait3A_189 = arith.constant 0 : i32
        %dma_wait3A_190 = arith.constant 0 : i32
        %dma_wait3A_191 = tpu.memref_slice %arg4[%dma_wait3A_189, %dma_wait3A_190] : memref<320000x128xf32, #tpu.memory_space<hbm>> -> memref<400x128xf32, #tpu.memory_space<hbm>>
        %dma_wait3A_192 = arith.constant 0 : i32
        %dma_wait3A_193 = arith.constant 0 : i32
        %dma_wait3A_194 = tpu.memref_slice %arg4[%dma_wait3A_192, %dma_wait3A_193] : memref<320000x128xf32, #tpu.memory_space<hbm>> -> memref<400x128xf32, #tpu.memory_space<hbm>>
        tpu.wait_dma2 semaphore(%arg14 : memref<!tpu.dma_semaphore, #tpu.memory_space<semaphore_mem>>) src(%arg8 : memref<400x128xf32, #tpu.memory_space<vmem>>) dst(%dma_wait3A_194 : memref<400x128xf32, #tpu.memory_space<hbm>>)
      } else {
      }
      %dma_wait3A_165 = arith.constant 0 : i32
      %dma_wait3A_166 = tpu.memref_slice %arg3[%dma_wait3A_165] : memref<320000xi32, #tpu.memory_space<hbm>> -> memref<400xi32, #tpu.memory_space<hbm>>
      %dma_wait3A_167 = arith.constant 0 : i32
      %dma_wait3A_168 = tpu.memref_slice %arg3[%dma_wait3A_167] : memref<320000xi32, #tpu.memory_space<hbm>> -> memref<400xi32, #tpu.memory_space<hbm>>
      tpu.wait_dma2 semaphore(%arg10 : memref<!tpu.dma_semaphore, #tpu.memory_space<semaphore_mem>>) src(%dma_wait3A_168 : memref<400xi32, #tpu.memory_space<hbm>>) dst(%arg6 : memref<400xi32, #tpu.memory_space<vmem>>)
      %dma_start3A_169 = arith.constant 0 : i32
      %dma_start3A_170 = arith.constant 0 : i32
      %dma_start3A_171 = tpu.memref_slice %arg2[%dma_start3A_169, %dma_start3A_170] : memref<10000x128xf32, #tpu.memory_space<hbm>> -> memref<10000x128xf32, #tpu.memory_space<hbm>>
      tpu.enqueue_indirect_dma source(%dma_start3A_171 : memref<10000x128xf32, #tpu.memory_space<hbm>>) target(%arg8 : memref<400x128xf32, #tpu.memory_space<vmem>>) offsets(%arg6 : memref<400xi32, #tpu.memory_space<vmem>>) semaphore(%arg12 : memref<!tpu.dma_semaphore, #tpu.memory_space<semaphore_mem>>)
      %dma_wait3A_172 = arith.constant 0 : i32
      %dma_wait3A_173 = arith.constant 0 : i32
      %dma_wait3A_174 = tpu.memref_slice %arg2[%dma_wait3A_172, %dma_wait3A_173] : memref<10000x128xf32, #tpu.memory_space<hbm>> -> memref<10000x128xf32, #tpu.memory_space<hbm>>
      tpu.wait_indirect_dma semaphore(%arg12 : memref<!tpu.dma_semaphore, #tpu.memory_space<semaphore_mem>>) src(%dma_wait3A_174 : memref<10000x128xf32, #tpu.memory_space<hbm>>) dst(%arg8 : memref<400x128xf32, #tpu.memory_space<vmem>>)
      %add3A_175 = arith.constant 2 : i32
      %add3A_176 = arith.addi %add3A_157, %add3A_175 : i32
      %lt3A_177 = arith.cmpi slt, %add3A_176, %sub3A_47 : i32
      %convert_element_type3A_178 = arith.extui %lt3A_177 : i1 to i32
      %cond3A_179 = arith.constant 0 : i32
      %cond3A_180 = arith.cmpi ne, %convert_element_type3A_178, %cond3A_179 : i32
      scf.if %cond3A_180 {
        %add3A_189 = arith.constant 2 : i32
        %add3A_190 = arith.addi %add3A_157, %add3A_189 : i32
        %add3A_191 = arith.addi %select_n3A, %add3A_190 : i32
        %mul3A_192 = arith.constant 400 : i32
        %mul3A_193 = arith.muli %add3A_191, %mul3A_192 : i32
        %multiple_of3A_194 = tpu.assume_multiple %mul3A_193, 8 : i32
        %dma_start3A_195 = tpu.memref_slice %arg3[%multiple_of3A_194] : memref<320000xi32, #tpu.memory_space<hbm>> -> memref<400xi32, #tpu.memory_space<hbm>>
        %dma_start3A_196 = tpu.memref_slice %arg3[%multiple_of3A_194] : memref<320000xi32, #tpu.memory_space<hbm>> -> memref<400xi32, #tpu.memory_space<hbm>>
        tpu.enqueue_dma source(%dma_start3A_196 : memref<400xi32, #tpu.memory_space<hbm>>) target(%arg6 : memref<400xi32, #tpu.memory_space<vmem>>) target_semaphore(%arg10 : memref<!tpu.dma_semaphore, #tpu.memory_space<semaphore_mem>>)
      } else {
      }
      %add3A_181 = arith.addi %select_n3A, %add3A_157 : i32
      %mul3A_182 = arith.constant 400 : i32
      %mul3A_183 = arith.muli %add3A_181, %mul3A_182 : i32
      %multiple_of3A_184 = tpu.assume_multiple %mul3A_183, 8 : i32
      %dma_start3A_185 = arith.constant 0 : i32
      %dma_start3A_186 = tpu.memref_slice %arg4[%multiple_of3A_184, %dma_start3A_185] : memref<320000x128xf32, #tpu.memory_space<hbm>> -> memref<400x128xf32, #tpu.memory_space<hbm>>
      %dma_start3A_187 = arith.constant 0 : i32
      %dma_start3A_188 = tpu.memref_slice %arg4[%multiple_of3A_184, %dma_start3A_187] : memref<320000x128xf32, #tpu.memory_space<hbm>> -> memref<400x128xf32, #tpu.memory_space<hbm>>
      tpu.enqueue_dma source(%arg8 : memref<400x128xf32, #tpu.memory_space<vmem>>) target(%dma_start3A_188 : memref<400x128xf32, #tpu.memory_space<hbm>>) target_semaphore(%arg14 : memref<!tpu.dma_semaphore, #tpu.memory_space<semaphore_mem>>)
    }
    %while3A_92 = arith.constant 1 : i32
    scf.for %while3A_121 = %while3A_90 to %while3A_86 step %while3A_92  : i32 {
      %mul3A_122 = arith.constant 2 : i32
      %mul3A_123 = arith.muli %mul3A_122, %while3A_121 : i32
      %eq3A_124 = arith.constant 0 : i32
      %eq3A_125 = arith.cmpi eq, %while3A_121, %eq3A_124 : i32
      %not3A = arith.constant true
      %not3A_126 = arith.xori %eq3A_125, %not3A : i1
      %convert_element_type3A_127 = arith.extui %not3A_126 : i1 to i32
      %cond3A_128 = arith.constant 0 : i32
      %cond3A_129 = arith.cmpi ne, %convert_element_type3A_127, %cond3A_128 : i32
      scf.if %cond3A_129 {
        %dma_wait3A_189 = arith.constant 0 : i32
        %dma_wait3A_190 = arith.constant 0 : i32
        %dma_wait3A_191 = tpu.memref_slice %arg4[%dma_wait3A_189, %dma_wait3A_190] : memref<320000x128xf32, #tpu.memory_space<hbm>> -> memref<400x128xf32, #tpu.memory_space<hbm>>
        %dma_wait3A_192 = arith.constant 0 : i32
        %dma_wait3A_193 = arith.constant 0 : i32
        %dma_wait3A_194 = tpu.memref_slice %arg4[%dma_wait3A_192, %dma_wait3A_193] : memref<320000x128xf32, #tpu.memory_space<hbm>> -> memref<400x128xf32, #tpu.memory_space<hbm>>
        tpu.wait_dma2 semaphore(%arg13 : memref<!tpu.dma_semaphore, #tpu.memory_space<semaphore_mem>>) src(%arg7 : memref<400x128xf32, #tpu.memory_space<vmem>>) dst(%dma_wait3A_194 : memref<400x128xf32, #tpu.memory_space<hbm>>)
      } else {
      }
      %dma_wait3A_130 = arith.constant 0 : i32
      %dma_wait3A_131 = tpu.memref_slice %arg3[%dma_wait3A_130] : memref<320000xi32, #tpu.memory_space<hbm>> -> memref<400xi32, #tpu.memory_space<hbm>>
      %dma_wait3A_132 = arith.constant 0 : i32
      %dma_wait3A_133 = tpu.memref_slice %arg3[%dma_wait3A_132] : memref<320000xi32, #tpu.memory_space<hbm>> -> memref<400xi32, #tpu.memory_space<hbm>>
      tpu.wait_dma2 semaphore(%arg9 : memref<!tpu.dma_semaphore, #tpu.memory_space<semaphore_mem>>) src(%dma_wait3A_133 : memref<400xi32, #tpu.memory_space<hbm>>) dst(%arg5 : memref<400xi32, #tpu.memory_space<vmem>>)
      %dma_start3A_134 = arith.constant 0 : i32
      %dma_start3A_135 = arith.constant 0 : i32
      %dma_start3A_136 = tpu.memref_slice %arg2[%dma_start3A_134, %dma_start3A_135] : memref<10000x128xf32, #tpu.memory_space<hbm>> -> memref<10000x128xf32, #tpu.memory_space<hbm>>
      tpu.enqueue_indirect_dma source(%dma_start3A_136 : memref<10000x128xf32, #tpu.memory_space<hbm>>) target(%arg7 : memref<400x128xf32, #tpu.memory_space<vmem>>) offsets(%arg5 : memref<400xi32, #tpu.memory_space<vmem>>) semaphore(%arg11 : memref<!tpu.dma_semaphore, #tpu.memory_space<semaphore_mem>>)
      %dma_wait3A_137 = arith.constant 0 : i32
      %dma_wait3A_138 = arith.constant 0 : i32
      %dma_wait3A_139 = tpu.memref_slice %arg2[%dma_wait3A_137, %dma_wait3A_138] : memref<10000x128xf32, #tpu.memory_space<hbm>> -> memref<10000x128xf32, #tpu.memory_space<hbm>>
      tpu.wait_indirect_dma semaphore(%arg11 : memref<!tpu.dma_semaphore, #tpu.memory_space<semaphore_mem>>) src(%dma_wait3A_139 : memref<10000x128xf32, #tpu.memory_space<hbm>>) dst(%arg7 : memref<400x128xf32, #tpu.memory_space<vmem>>)
      %add3A_140 = arith.constant 2 : i32
      %add3A_141 = arith.addi %mul3A_123, %add3A_140 : i32
      %lt3A_142 = arith.cmpi slt, %add3A_141, %sub3A_47 : i32
      %convert_element_type3A_143 = arith.extui %lt3A_142 : i1 to i32
      %cond3A_144 = arith.constant 0 : i32
      %cond3A_145 = arith.cmpi ne, %convert_element_type3A_143, %cond3A_144 : i32
      scf.if %cond3A_145 {
        %add3A_189 = arith.constant 2 : i32
        %add3A_190 = arith.addi %mul3A_123, %add3A_189 : i32
        %add3A_191 = arith.addi %select_n3A, %add3A_190 : i32
        %mul3A_192 = arith.constant 400 : i32
        %mul3A_193 = arith.muli %add3A_191, %mul3A_192 : i32
        %multiple_of3A_194 = tpu.assume_multiple %mul3A_193, 8 : i32
        %dma_start3A_195 = tpu.memref_slice %arg3[%multiple_of3A_194] : memref<320000xi32, #tpu.memory_space<hbm>> -> memref<400xi32, #tpu.memory_space<hbm>>
        %dma_start3A_196 = tpu.memref_slice %arg3[%multiple_of3A_194] : memref<320000xi32, #tpu.memory_space<hbm>> -> memref<400xi32, #tpu.memory_space<hbm>>
        tpu.enqueue_dma source(%dma_start3A_196 : memref<400xi32, #tpu.memory_space<hbm>>) target(%arg5 : memref<400xi32, #tpu.memory_space<vmem>>) target_semaphore(%arg9 : memref<!tpu.dma_semaphore, #tpu.memory_space<semaphore_mem>>)
      } else {
      }
      %add3A_146 = arith.addi %select_n3A, %mul3A_123 : i32
      %mul3A_147 = arith.constant 400 : i32
      %mul3A_148 = arith.muli %add3A_146, %mul3A_147 : i32
      %multiple_of3A_149 = tpu.assume_multiple %mul3A_148, 8 : i32
      %dma_start3A_150 = arith.constant 0 : i32
      %dma_start3A_151 = tpu.memref_slice %arg4[%multiple_of3A_149, %dma_start3A_150] : memref<320000x128xf32, #tpu.memory_space<hbm>> -> memref<400x128xf32, #tpu.memory_space<hbm>>
      %dma_start3A_152 = arith.constant 0 : i32
      %dma_start3A_153 = tpu.memref_slice %arg4[%multiple_of3A_149, %dma_start3A_152] : memref<320000x128xf32, #tpu.memory_space<hbm>> -> memref<400x128xf32, #tpu.memory_space<hbm>>
      tpu.enqueue_dma source(%arg7 : memref<400x128xf32, #tpu.memory_space<vmem>>) target(%dma_start3A_153 : memref<400x128xf32, #tpu.memory_space<hbm>>) target_semaphore(%arg13 : memref<!tpu.dma_semaphore, #tpu.memory_space<semaphore_mem>>)
      %mul3A_154 = arith.constant 2 : i32
      %mul3A_155 = arith.muli %mul3A_154, %while3A_121 : i32
      %add3A_156 = arith.constant 1 : i32
      %add3A_157 = arith.addi %mul3A_155, %add3A_156 : i32
      %eq3A_158 = arith.constant 0 : i32
      %eq3A_159 = arith.cmpi eq, %while3A_121, %eq3A_158 : i32
      %not3A_160 = arith.constant true
      %not3A_161 = arith.xori %eq3A_159, %not3A_160 : i1
      %convert_element_type3A_162 = arith.extui %not3A_161 : i1 to i32
      %cond3A_163 = arith.constant 0 : i32
      %cond3A_164 = arith.cmpi ne, %convert_element_type3A_162, %cond3A_163 : i32
      scf.if %cond3A_164 {
        %dma_wait3A_189 = arith.constant 0 : i32
        %dma_wait3A_190 = arith.constant 0 : i32
        %dma_wait3A_191 = tpu.memref_slice %arg4[%dma_wait3A_189, %dma_wait3A_190] : memref<320000x128xf32, #tpu.memory_space<hbm>> -> memref<400x128xf32, #tpu.memory_space<hbm>>
        %dma_wait3A_192 = arith.constant 0 : i32
        %dma_wait3A_193 = arith.constant 0 : i32
        %dma_wait3A_194 = tpu.memref_slice %arg4[%dma_wait3A_192, %dma_wait3A_193] : memref<320000x128xf32, #tpu.memory_space<hbm>> -> memref<400x128xf32, #tpu.memory_space<hbm>>
        tpu.wait_dma2 semaphore(%arg14 : memref<!tpu.dma_semaphore, #tpu.memory_space<semaphore_mem>>) src(%arg8 : memref<400x128xf32, #tpu.memory_space<vmem>>) dst(%dma_wait3A_194 : memref<400x128xf32, #tpu.memory_space<hbm>>)
      } else {
      }
      %dma_wait3A_165 = arith.constant 0 : i32
      %dma_wait3A_166 = tpu.memref_slice %arg3[%dma_wait3A_165] : memref<320000xi32, #tpu.memory_space<hbm>> -> memref<400xi32, #tpu.memory_space<hbm>>
      %dma_wait3A_167 = arith.constant 0 : i32
      %dma_wait3A_168 = tpu.memref_slice %arg3[%dma_wait3A_167] : memref<320000xi32, #tpu.memory_space<hbm>> -> memref<400xi32, #tpu.memory_space<hbm>>
      tpu.wait_dma2 semaphore(%arg10 : memref<!tpu.dma_semaphore, #tpu.memory_space<semaphore_mem>>) src(%dma_wait3A_168 : memref<400xi32, #tpu.memory_space<hbm>>) dst(%arg6 : memref<400xi32, #tpu.memory_space<vmem>>)
      %dma_start3A_169 = arith.constant 0 : i32
      %dma_start3A_170 = arith.constant 0 : i32
      %dma_start3A_171 = tpu.memref_slice %arg2[%dma_start3A_169, %dma_start3A_170] : memref<10000x128xf32, #tpu.memory_space<hbm>> -> memref<10000x128xf32, #tpu.memory_space<hbm>>
      tpu.enqueue_indirect_dma source(%dma_start3A_171 : memref<10000x128xf32, #tpu.memory_space<hbm>>) target(%arg8 : memref<400x128xf32, #tpu.memory_space<vmem>>) offsets(%arg6 : memref<400xi32, #tpu.memory_space<vmem>>) semaphore(%arg12 : memref<!tpu.dma_semaphore, #tpu.memory_space<semaphore_mem>>)
      %dma_wait3A_172 = arith.constant 0 : i32
      %dma_wait3A_173 = arith.constant 0 : i32
      %dma_wait3A_174 = tpu.memref_slice %arg2[%dma_wait3A_172, %dma_wait3A_173] : memref<10000x128xf32, #tpu.memory_space<hbm>> -> memref<10000x128xf32, #tpu.memory_space<hbm>>
      tpu.wait_indirect_dma semaphore(%arg12 : memref<!tpu.dma_semaphore, #tpu.memory_space<semaphore_mem>>) src(%dma_wait3A_174 : memref<10000x128xf32, #tpu.memory_space<hbm>>) dst(%arg8 : memref<400x128xf32, #tpu.memory_space<vmem>>)
      %add3A_175 = arith.constant 2 : i32
      %add3A_176 = arith.addi %add3A_157, %add3A_175 : i32
      %lt3A_177 = arith.cmpi slt, %add3A_176, %sub3A_47 : i32
      %convert_element_type3A_178 = arith.extui %lt3A_177 : i1 to i32
      %cond3A_179 = arith.constant 0 : i32
      %cond3A_180 = arith.cmpi ne, %convert_element_type3A_178, %cond3A_179 : i32
      scf.if %cond3A_180 {
        %add3A_189 = arith.constant 2 : i32
        %add3A_190 = arith.addi %add3A_157, %add3A_189 : i32
        %add3A_191 = arith.addi %select_n3A, %add3A_190 : i32
        %mul3A_192 = arith.constant 400 : i32
        %mul3A_193 = arith.muli %add3A_191, %mul3A_192 : i32
        %multiple_of3A_194 = tpu.assume_multiple %mul3A_193, 8 : i32
        %dma_start3A_195 = tpu.memref_slice %arg3[%multiple_of3A_194] : memref<320000xi32, #tpu.memory_space<hbm>> -> memref<400xi32, #tpu.memory_space<hbm>>
        %dma_start3A_196 = tpu.memref_slice %arg3[%multiple_of3A_194] : memref<320000xi32, #tpu.memory_space<hbm>> -> memref<400xi32, #tpu.memory_space<hbm>>
        tpu.enqueue_dma source(%dma_start3A_196 : memref<400xi32, #tpu.memory_space<hbm>>) target(%arg6 : memref<400xi32, #tpu.memory_space<vmem>>) target_semaphore(%arg10 : memref<!tpu.dma_semaphore, #tpu.memory_space<semaphore_mem>>)
      } else {
      }
      %add3A_181 = arith.addi %select_n3A, %add3A_157 : i32
      %mul3A_182 = arith.constant 400 : i32
      %mul3A_183 = arith.muli %add3A_181, %mul3A_182 : i32
      %multiple_of3A_184 = tpu.assume_multiple %mul3A_183, 8 : i32
      %dma_start3A_185 = arith.constant 0 : i32
      %dma_start3A_186 = tpu.memref_slice %arg4[%multiple_of3A_184, %dma_start3A_185] : memref<320000x128xf32, #tpu.memory_space<hbm>> -> memref<400x128xf32, #tpu.memory_space<hbm>>
      %dma_start3A_187 = arith.constant 0 : i32
      %dma_start3A_188 = tpu.memref_slice %arg4[%multiple_of3A_184, %dma_start3A_187] : memref<320000x128xf32, #tpu.memory_space<hbm>> -> memref<400x128xf32, #tpu.memory_space<hbm>>
      tpu.enqueue_dma source(%arg8 : memref<400x128xf32, #tpu.memory_space<vmem>>) target(%dma_start3A_188 : memref<400x128xf32, #tpu.memory_space<hbm>>) target_semaphore(%arg14 : memref<!tpu.dma_semaphore, #tpu.memory_space<semaphore_mem>>)
    }
    %jit3A_93 = arith.constant 2 : i32
    %eq3A = arith.constant 0 : i32
    %eq3A_94 = arith.cmpi eq, %jit3A_93, %eq3A : i32
    %jit3A_95 = arith.constant 1 : i32
    %select_n3A_96 = arith.select %eq3A_94, %jit3A_95, %jit3A_93 : i32
    %rem3A_97 = arith.remsi %sub3A_47, %select_n3A_96 : i32
    %ne3A_98 = arith.constant 0 : i32
    %ne3A_99 = arith.cmpi ne, %rem3A_97, %ne3A_98 : i32
    %lt3A = arith.constant 0 : i32
    %lt3A_100 = arith.cmpi slt, %rem3A_97, %lt3A : i32
    %lt3A_101 = arith.constant 0 : i32
    %lt3A_102 = arith.cmpi slt, %select_n3A_96, %lt3A_101 : i32
    %ne3A_103 = arith.xori %lt3A_100, %lt3A_102 : i1
    %and3A_104 = arith.andi %ne3A_103, %ne3A_99 : i1
    %add3A_105 = arith.addi %rem3A_97, %select_n3A_96 : i32
    %select_n3A_106 = arith.select %and3A_104, %add3A_105, %rem3A_97 : i32
    %eq3A_107 = arith.constant 1 : i32
    %eq3A_108 = arith.cmpi eq, %select_n3A_106, %eq3A_107 : i32
    %convert_element_type3A = arith.extui %eq3A_108 : i1 to i32
    %cond3A = arith.constant 0 : i32
    %cond3A_109 = arith.cmpi ne, %convert_element_type3A, %cond3A : i32
    scf.if %cond3A_109 {
      %sub3A_121 = arith.constant 1 : i32
      %sub3A_122 = arith.subi %sub3A_47, %sub3A_121 : i32
      %eq3A_123 = arith.constant 1 : i32
      %eq3A_124 = arith.cmpi eq, %sub3A_47, %eq3A_123 : i32
      %not3A = arith.constant true
      %not3A_125 = arith.xori %eq3A_124, %not3A : i1
      %convert_element_type3A_126 = arith.extui %not3A_125 : i1 to i32
      %cond3A_127 = arith.constant 0 : i32
      %cond3A_128 = arith.cmpi ne, %convert_element_type3A_126, %cond3A_127 : i32
      scf.if %cond3A_128 {
        %dma_wait3A_153 = arith.constant 0 : i32
        %dma_wait3A_154 = arith.constant 0 : i32
        %dma_wait3A_155 = tpu.memref_slice %arg4[%dma_wait3A_153, %dma_wait3A_154] : memref<320000x128xf32, #tpu.memory_space<hbm>> -> memref<400x128xf32, #tpu.memory_space<hbm>>
        %dma_wait3A_156 = arith.constant 0 : i32
        %dma_wait3A_157 = arith.constant 0 : i32
        %dma_wait3A_158 = tpu.memref_slice %arg4[%dma_wait3A_156, %dma_wait3A_157] : memref<320000x128xf32, #tpu.memory_space<hbm>> -> memref<400x128xf32, #tpu.memory_space<hbm>>
        tpu.wait_dma2 semaphore(%arg13 : memref<!tpu.dma_semaphore, #tpu.memory_space<semaphore_mem>>) src(%arg7 : memref<400x128xf32, #tpu.memory_space<vmem>>) dst(%dma_wait3A_158 : memref<400x128xf32, #tpu.memory_space<hbm>>)
      } else {
      }
      %dma_wait3A_129 = arith.constant 0 : i32
      %dma_wait3A_130 = tpu.memref_slice %arg3[%dma_wait3A_129] : memref<320000xi32, #tpu.memory_space<hbm>> -> memref<400xi32, #tpu.memory_space<hbm>>
      %dma_wait3A_131 = arith.constant 0 : i32
      %dma_wait3A_132 = tpu.memref_slice %arg3[%dma_wait3A_131] : memref<320000xi32, #tpu.memory_space<hbm>> -> memref<400xi32, #tpu.memory_space<hbm>>
      tpu.wait_dma2 semaphore(%arg9 : memref<!tpu.dma_semaphore, #tpu.memory_space<semaphore_mem>>) src(%dma_wait3A_132 : memref<400xi32, #tpu.memory_space<hbm>>) dst(%arg5 : memref<400xi32, #tpu.memory_space<vmem>>)
      %dma_start3A_133 = arith.constant 0 : i32
      %dma_start3A_134 = arith.constant 0 : i32
      %dma_start3A_135 = tpu.memref_slice %arg2[%dma_start3A_133, %dma_start3A_134] : memref<10000x128xf32, #tpu.memory_space<hbm>> -> memref<10000x128xf32, #tpu.memory_space<hbm>>
      tpu.enqueue_indirect_dma source(%dma_start3A_135 : memref<10000x128xf32, #tpu.memory_space<hbm>>) target(%arg7 : memref<400x128xf32, #tpu.memory_space<vmem>>) offsets(%arg5 : memref<400xi32, #tpu.memory_space<vmem>>) semaphore(%arg11 : memref<!tpu.dma_semaphore, #tpu.memory_space<semaphore_mem>>)
      %dma_wait3A_136 = arith.constant 0 : i32
      %dma_wait3A_137 = arith.constant 0 : i32
      %dma_wait3A_138 = tpu.memref_slice %arg2[%dma_wait3A_136, %dma_wait3A_137] : memref<10000x128xf32, #tpu.memory_space<hbm>> -> memref<10000x128xf32, #tpu.memory_space<hbm>>
      tpu.wait_indirect_dma semaphore(%arg11 : memref<!tpu.dma_semaphore, #tpu.memory_space<semaphore_mem>>) src(%dma_wait3A_138 : memref<10000x128xf32, #tpu.memory_space<hbm>>) dst(%arg7 : memref<400x128xf32, #tpu.memory_space<vmem>>)
      %add3A_139 = arith.constant 2 : i32
      %add3A_140 = arith.addi %sub3A_122, %add3A_139 : i32
      %lt3A_141 = arith.cmpi slt, %add3A_140, %sub3A_47 : i32
      %convert_element_type3A_142 = arith.extui %lt3A_141 : i1 to i32
      %cond3A_143 = arith.constant 0 : i32
      %cond3A_144 = arith.cmpi ne, %convert_element_type3A_142, %cond3A_143 : i32
      scf.if %cond3A_144 {
        %add3A_153 = arith.constant 2 : i32
        %add3A_154 = arith.addi %sub3A_122, %add3A_153 : i32
        %add3A_155 = arith.addi %select_n3A, %add3A_154 : i32
        %mul3A_156 = arith.constant 400 : i32
        %mul3A_157 = arith.muli %add3A_155, %mul3A_156 : i32
        %multiple_of3A_158 = tpu.assume_multiple %mul3A_157, 8 : i32
        %dma_start3A_159 = tpu.memref_slice %arg3[%multiple_of3A_158] : memref<320000xi32, #tpu.memory_space<hbm>> -> memref<400xi32, #tpu.memory_space<hbm>>
        %dma_start3A_160 = tpu.memref_slice %arg3[%multiple_of3A_158] : memref<320000xi32, #tpu.memory_space<hbm>> -> memref<400xi32, #tpu.memory_space<hbm>>
        tpu.enqueue_dma source(%dma_start3A_160 : memref<400xi32, #tpu.memory_space<hbm>>) target(%arg5 : memref<400xi32, #tpu.memory_space<vmem>>) target_semaphore(%arg9 : memref<!tpu.dma_semaphore, #tpu.memory_space<semaphore_mem>>)
      } else {
      }
      %add3A_145 = arith.addi %select_n3A, %sub3A_122 : i32
      %mul3A_146 = arith.constant 400 : i32
      %mul3A_147 = arith.muli %add3A_145, %mul3A_146 : i32
      %multiple_of3A_148 = tpu.assume_multiple %mul3A_147, 8 : i32
      %dma_start3A_149 = arith.constant 0 : i32
      %dma_start3A_150 = tpu.memref_slice %arg4[%multiple_of3A_148, %dma_start3A_149] : memref<320000x128xf32, #tpu.memory_space<hbm>> -> memref<400x128xf32, #tpu.memory_space<hbm>>
      %dma_start3A_151 = arith.constant 0 : i32
      %dma_start3A_152 = tpu.memref_slice %arg4[%multiple_of3A_148, %dma_start3A_151] : memref<320000x128xf32, #tpu.memory_space<hbm>> -> memref<400x128xf32, #tpu.memory_space<hbm>>
      tpu.enqueue_dma source(%arg7 : memref<400x128xf32, #tpu.memory_space<vmem>>) target(%dma_start3A_152 : memref<400x128xf32, #tpu.memory_space<hbm>>) target_semaphore(%arg13 : memref<!tpu.dma_semaphore, #tpu.memory_space<semaphore_mem>>)
    } else {
    }
    %dma_wait3A = arith.constant 0 : i32
    %dma_wait3A_110 = arith.constant 0 : i32
    %dma_wait3A_111 = tpu.memref_slice %arg4[%dma_wait3A, %dma_wait3A_110] : memref<320000x128xf32, #tpu.memory_space<hbm>> -> memref<400x128xf32, #tpu.memory_space<hbm>>
    %dma_wait3A_112 = arith.constant 0 : i32
    %dma_wait3A_113 = arith.constant 0 : i32
    %dma_wait3A_114 = tpu.memref_slice %arg4[%dma_wait3A_112, %dma_wait3A_113] : memref<320000x128xf32, #tpu.memory_space<hbm>> -> memref<400x128xf32, #tpu.memory_space<hbm>>
    tpu.wait_dma2 semaphore(%arg13 : memref<!tpu.dma_semaphore, #tpu.memory_space<semaphore_mem>>) src(%arg7 : memref<400x128xf32, #tpu.memory_space<vmem>>) dst(%dma_wait3A_114 : memref<400x128xf32, #tpu.memory_space<hbm>>)
    %dma_wait3A_115 = arith.constant 0 : i32
    %dma_wait3A_116 = arith.constant 0 : i32
    %dma_wait3A_117 = tpu.memref_slice %arg4[%dma_wait3A_115, %dma_wait3A_116] : memref<320000x128xf32, #tpu.memory_space<hbm>> -> memref<400x128xf32, #tpu.memory_space<hbm>>
    %dma_wait3A_118 = arith.constant 0 : i32
    %dma_wait3A_119 = arith.constant 0 : i32
    %dma_wait3A_120 = tpu.memref_slice %arg4[%dma_wait3A_118, %dma_wait3A_119] : memref<320000x128xf32, #tpu.memory_space<hbm>> -> memref<400x128xf32, #tpu.memory_space<hbm>>
    tpu.wait_dma2 semaphore(%arg14 : memref<!tpu.dma_semaphore, #tpu.memory_space<semaphore_mem>>) src(%arg8 : memref<400x128xf32, #tpu.memory_space<vmem>>) dst(%dma_wait3A_120 : memref<400x128xf32, #tpu.memory_space<hbm>>)
    return
  }
}

module attributes {stable_mosaic.version = 14 : i64} {
  func.func @_prep_body(%arg0: memref<10000x128xf32, #tpu.memory_space<vmem>>, %arg1: memref<1x128xf32, #tpu.memory_space<vmem>>, %arg2: memref<1x128xf32, #tpu.memory_space<vmem>>, %arg3: memref<128x128xf32, #tpu.memory_space<vmem>>, %arg4: memref<128x128xf32, #tpu.memory_space<vmem>>, %arg5: memref<1x128xf32, #tpu.memory_space<vmem>>, %arg6: memref<10000x32xi32, #tpu.memory_space<vmem>>, %arg7: memref<10000x128xf32, #tpu.memory_space<vmem>>, %arg8: memref<10000x128xf32, #tpu.memory_space<vmem>>, %arg9: memref<2500x128xi32, #tpu.memory_space<vmem>>) attributes {dimension_semantics = [], scalar_prefetch = 0 : i64, scratch_operands = 0 : i64, tpu.core_type = #tpu.core_type<tc>} {
    %get3A = arith.constant 0 : index
    %get3A_0 = arith.constant 0 : index
    %get3A_1 = vector.load %arg0[%get3A, %get3A_0] : memref<10000x128xf32, #tpu.memory_space<vmem>>, vector<10000x128xf32>
    %reduce_sum3A = arith.constant dense<0.000000e+00> : vector<10000xf32>
    %reduce_sum3A_2 = vector.multi_reduction <add>, %get3A_1, %reduce_sum3A [1] : vector<10000x128xf32> to vector<10000xf32>
    %broadcast_in_dim3A = vector.shape_cast %reduce_sum3A_2 : vector<10000xf32> to vector<10000x1xf32>
    %div3A = arith.constant 1.280000e+02 : f32
    %div3A_3 = vector.broadcast %div3A : f32 to vector<10000x1xf32>
    %div3A_4 = arith.divf %broadcast_in_dim3A, %div3A_3 : vector<10000x1xf32>
    %sub3A = vector.broadcast %div3A_4 : vector<10000x1xf32> to vector<10000x128xf32>
    %sub3A_5 = arith.subf %get3A_1, %sub3A : vector<10000x128xf32>
    %square3A = arith.mulf %sub3A_5, %sub3A_5 : vector<10000x128xf32>
    %reduce_sum3A_6 = arith.constant dense<0.000000e+00> : vector<10000xf32>
    %reduce_sum3A_7 = vector.multi_reduction <add>, %square3A, %reduce_sum3A_6 [1] : vector<10000x128xf32> to vector<10000xf32>
    %broadcast_in_dim3A_8 = vector.shape_cast %reduce_sum3A_7 : vector<10000xf32> to vector<10000x1xf32>
    %div3A_9 = arith.constant 1.280000e+02 : f32
    %div3A_10 = vector.broadcast %div3A_9 : f32 to vector<10000x1xf32>
    %div3A_11 = arith.divf %broadcast_in_dim3A_8, %div3A_10 : vector<10000x1xf32>
    %sub3A_12 = vector.broadcast %div3A_4 : vector<10000x1xf32> to vector<10000x128xf32>
    %sub3A_13 = arith.subf %get3A_1, %sub3A_12 : vector<10000x128xf32>
    %add3A = arith.constant 9.99999997E-7 : f32
    %add3A_14 = vector.broadcast %add3A : f32 to vector<10000x1xf32>
    %add3A_15 = arith.addf %div3A_11, %add3A_14 : vector<10000x1xf32>
    %rsqrt3A = math.rsqrt %add3A_15 : vector<10000x1xf32>
    %mul3A = vector.broadcast %rsqrt3A : vector<10000x1xf32> to vector<10000x128xf32>
    %mul3A_16 = arith.mulf %sub3A_13, %mul3A : vector<10000x128xf32>
    %get3A_17 = arith.constant 0 : index
    %get3A_18 = arith.constant 0 : index
    %get3A_19 = vector.load %arg1[%get3A_17, %get3A_18] : memref<1x128xf32, #tpu.memory_space<vmem>>, vector<1x128xf32>
    %mul3A_20 = vector.broadcast %get3A_19 : vector<1x128xf32> to vector<10000x128xf32>
    %mul3A_21 = arith.mulf %mul3A_16, %mul3A_20 : vector<10000x128xf32>
    %get3A_22 = arith.constant 0 : index
    %get3A_23 = arith.constant 0 : index
    %get3A_24 = vector.load %arg2[%get3A_22, %get3A_23] : memref<1x128xf32, #tpu.memory_space<vmem>>, vector<1x128xf32>
    %add3A_25 = vector.broadcast %get3A_24 : vector<1x128xf32> to vector<10000x128xf32>
    %add3A_26 = arith.addf %mul3A_21, %add3A_25 : vector<10000x128xf32>
    %get3A_27 = arith.constant 0 : index
    %get3A_28 = arith.constant 0 : index
    %get3A_29 = vector.load %arg3[%get3A_27, %get3A_28] : memref<128x128xf32, #tpu.memory_space<vmem>>, vector<128x128xf32>
    %dot_general3A = arith.constant dense<0.000000e+00> : vector<10000x128xf32>
    %dot_general3A_30 = tpu.matmul %add3A_26, %get3A_29, %dot_general3A {dimension_numbers = #tpu.dot_dimension_numbers<[1], [0], [0], [1], [0, 0, 1, 1], [], []>, transpose_lhs_hint = false} : vector<10000x128xf32>, vector<128x128xf32>, vector<10000x128xf32> -> vector<10000x128xf32>
    %get3A_31 = arith.constant 0 : index
    %get3A_32 = arith.constant 0 : index
    %get3A_33 = vector.load %arg5[%get3A_31, %get3A_32] : memref<1x128xf32, #tpu.memory_space<vmem>>, vector<1x128xf32>
    %add3A_34 = vector.broadcast %get3A_33 : vector<1x128xf32> to vector<10000x128xf32>
    %add3A_35 = arith.addf %dot_general3A_30, %add3A_34 : vector<10000x128xf32>
    %swap3A = arith.constant 0 : index
    %swap3A_36 = arith.constant 0 : index
    %swap3A_37 = vector.load %arg7[%swap3A, %swap3A_36] : memref<10000x128xf32, #tpu.memory_space<vmem>>, vector<10000x128xf32>
    tpu.vector_store %arg7[%swap3A, %swap3A_36], %add3A_35 {strides = array<i32>} : memref<10000x128xf32, #tpu.memory_space<vmem>>, vector<10000x128xf32>,
    %get3A_38 = arith.constant 0 : index
    %get3A_39 = arith.constant 0 : index
    %get3A_40 = vector.load %arg4[%get3A_38, %get3A_39] : memref<128x128xf32, #tpu.memory_space<vmem>>, vector<128x128xf32>
    %dot_general3A_41 = arith.constant dense<0.000000e+00> : vector<10000x128xf32>
    %dot_general3A_42 = tpu.matmul %add3A_26, %get3A_40, %dot_general3A_41 {dimension_numbers = #tpu.dot_dimension_numbers<[1], [0], [0], [1], [0, 0, 1, 1], [], []>, transpose_lhs_hint = false} : vector<10000x128xf32>, vector<128x128xf32>, vector<10000x128xf32> -> vector<10000x128xf32>
    %swap3A_43 = arith.constant 0 : index
    %swap3A_44 = arith.constant 0 : index
    %swap3A_45 = vector.load %arg8[%swap3A_43, %swap3A_44] : memref<10000x128xf32, #tpu.memory_space<vmem>>, vector<10000x128xf32>
    tpu.vector_store %arg8[%swap3A_43, %swap3A_44], %dot_general3A_42 {strides = array<i32>} : memref<10000x128xf32, #tpu.memory_space<vmem>>, vector<10000x128xf32>,
    %get3A_46 = arith.constant 0 : index
    %get3A_47 = arith.constant 0 : index
    %get3A_48 = vector.load %arg6[%get3A_46, %get3A_47] : memref<10000x32xi32, #tpu.memory_space<vmem>>, vector<10000x32xi32>
    %reshape3A = vector.shape_cast %get3A_48 : vector<10000x32xi32> to vector<2500x4x32xi32>
    %slice3A = vector.extract_strided_slice %reshape3A {offsets = [0, 0, 0], sizes = [2500, 1, 32], strides = [1, 1, 1]} : vector<2500x4x32xi32> to vector<2500x1x32xi32>
    %squeeze3A = vector.shape_cast %slice3A : vector<2500x1x32xi32> to vector<2500x32xi32>
    %slice3A_49 = vector.extract_strided_slice %reshape3A {offsets = [0, 1, 0], sizes = [2500, 1, 32], strides = [1, 1, 1]} : vector<2500x4x32xi32> to vector<2500x1x32xi32>
    %squeeze3A_50 = vector.shape_cast %slice3A_49 : vector<2500x1x32xi32> to vector<2500x32xi32>
    %slice3A_51 = vector.extract_strided_slice %reshape3A {offsets = [0, 2, 0], sizes = [2500, 1, 32], strides = [1, 1, 1]} : vector<2500x4x32xi32> to vector<2500x1x32xi32>
    %squeeze3A_52 = vector.shape_cast %slice3A_51 : vector<2500x1x32xi32> to vector<2500x32xi32>
    %slice3A_53 = vector.extract_strided_slice %reshape3A {offsets = [0, 3, 0], sizes = [2500, 1, 32], strides = [1, 1, 1]} : vector<2500x4x32xi32> to vector<2500x1x32xi32>
    %squeeze3A_54 = vector.shape_cast %slice3A_53 : vector<2500x1x32xi32> to vector<2500x32xi32>
    %concatenate3A = tpu.concatenate %squeeze3A, %squeeze3A_50, %squeeze3A_52, %squeeze3A_54 in 1 : vector<2500x32xi32>, vector<2500x32xi32>, vector<2500x32xi32>, vector<2500x32xi32> -> vector<2500x128xi32>
    %swap3A_55 = arith.constant 0 : index
    %swap3A_56 = arith.constant 0 : index
    %swap3A_57 = vector.load %arg9[%swap3A_55, %swap3A_56] : memref<2500x128xi32, #tpu.memory_space<vmem>>, vector<2500x128xi32>
    tpu.vector_store %arg9[%swap3A_55, %swap3A_56], %concatenate3A {strides = array<i32>} : memref<2500x128xi32, #tpu.memory_space<vmem>>, vector<2500x128xi32>,
    return
  }
}

module attributes {stable_mosaic.version = 14 : i64} {
  func.func @_main_body(%arg0: i32, %arg1: memref<6400x128xf32, #tpu.memory_space<vmem>>, %arg2: memref<6400x16xf32, #tpu.memory_space<vmem>>, %arg3: memref<200x128xf32, #tpu.memory_space<vmem>>, %arg4: memref<200x128xf32, #tpu.memory_space<vmem>>, %arg5: memref<16x128xf32, #tpu.memory_space<vmem>>, %arg6: memref<128x128xf32, #tpu.memory_space<vmem>>, %arg7: memref<1x128xf32, #tpu.memory_space<vmem>>, %arg8: memref<200x128xf32, #tpu.memory_space<vmem>>) attributes {dimension_semantics = [#tpu.dimension_semantics<arbitrary>], iteration_bounds = array<i64: 50>, scalar_prefetch = 0 : i64, scratch_operands = 0 : i64, tpu.core_type = #tpu.core_type<tc>, window_params = [{transform_indices = @transform_0, window_bounds = array<i64: 6400, 128>}, {transform_indices = @transform_1, window_bounds = array<i64: 6400, 16>}, {transform_indices = @transform_2, window_bounds = array<i64: 200, 128>}, {transform_indices = @transform_3, window_bounds = array<i64: 200, 128>}, {pipeline_mode = #tpu.pipeline_mode<synchronous>, transform_indices = @transform_4, window_bounds = array<i64: 16, 128>}, {pipeline_mode = #tpu.pipeline_mode<synchronous>, transform_indices = @transform_5, window_bounds = array<i64: 128, 128>}, {pipeline_mode = #tpu.pipeline_mode<synchronous>, transform_indices = @transform_6, window_bounds = array<i64: 1, 128>}, {transform_indices = @transform_7, window_bounds = array<i64: 200, 128>}]} {
    %get3A = arith.constant 0 : index
    %get3A_0 = arith.constant 0 : index
    %get3A_1 = vector.load %arg2[%get3A, %get3A_0] : memref<6400x16xf32, #tpu.memory_space<vmem>>, vector<6400x16xf32>
    %get3A_2 = arith.constant 0 : index
    %get3A_3 = arith.constant 0 : index
    %get3A_4 = vector.load %arg5[%get3A_2, %get3A_3] : memref<16x128xf32, #tpu.memory_space<vmem>>, vector<16x128xf32>
    %dot_general3A = arith.constant dense<0.000000e+00> : vector<6400x128xf32>
    %dot_general3A_5 = tpu.matmul %get3A_1, %get3A_4, %dot_general3A {dimension_numbers = #tpu.dot_dimension_numbers<[1], [0], [0], [1], [0, 0, 1, 1], [], []>, transpose_lhs_hint = false} : vector<6400x16xf32>, vector<16x128xf32>, vector<6400x128xf32> -> vector<6400x128xf32>
    %get3A_6 = arith.constant 0 : index
    %get3A_7 = arith.constant 0 : index
    %get3A_8 = vector.load %arg3[%get3A_6, %get3A_7] : memref<200x128xf32, #tpu.memory_space<vmem>>, vector<200x128xf32>
    %broadcast_in_dim3A = vector.shape_cast %get3A_8 : vector<200x128xf32> to vector<200x1x128xf32>
    %broadcast_in_dim3A_9 = vector.shape_cast %broadcast_in_dim3A : vector<200x1x128xf32> to vector<200x1x128xf32>
    %broadcast_in_dim3A_10 = vector.broadcast %broadcast_in_dim3A_9 : vector<200x1x128xf32> to vector<200x32x128xf32>
    %reshape3A = vector.shape_cast %broadcast_in_dim3A_10 : vector<200x32x128xf32> to vector<6400x128xf32>
    %get3A_11 = arith.constant 0 : index
    %get3A_12 = arith.constant 0 : index
    %get3A_13 = vector.load %arg1[%get3A_11, %get3A_12] : memref<6400x128xf32, #tpu.memory_space<vmem>>, vector<6400x128xf32>
    %add3A = arith.addf %get3A_13, %dot_general3A_5 : vector<6400x128xf32>
    %add3A_14 = arith.addf %add3A, %reshape3A : vector<6400x128xf32>
    %neg3A = arith.constant 0.000000e+00 : f32
    %neg3A_15 = vector.broadcast %neg3A : f32 to vector<6400x128xf32>
    %neg3A_16 = arith.subf %neg3A_15, %add3A_14 : vector<6400x128xf32>
    %exp3A = math.exp %neg3A_16 : vector<6400x128xf32>
    %add3A_17 = arith.constant 1.000000e+00 : f32
    %add3A_18 = vector.broadcast %add3A_17 : f32 to vector<6400x128xf32>
    %add3A_19 = arith.addf %add3A_18, %exp3A : vector<6400x128xf32>
    %div3A = arith.constant 1.000000e+00 : f32
    %div3A_20 = vector.broadcast %div3A : f32 to vector<6400x128xf32>
    %div3A_21 = arith.divf %div3A_20, %add3A_19 : vector<6400x128xf32>
    %mul3A = arith.mulf %add3A_14, %div3A_21 : vector<6400x128xf32>
    %reshape3A_22 = vector.shape_cast %mul3A : vector<6400x128xf32> to vector<200x32x128xf32>
    %reduce_sum3A = arith.constant dense<0.000000e+00> : vector<200x128xf32>
    %reduce_sum3A_23 = vector.multi_reduction <add>, %reshape3A_22, %reduce_sum3A [1] : vector<200x32x128xf32> to vector<200x128xf32>
    %get3A_24 = arith.constant 0 : index
    %get3A_25 = arith.constant 0 : index
    %get3A_26 = vector.load %arg4[%get3A_24, %get3A_25] : memref<200x128xf32, #tpu.memory_space<vmem>>, vector<200x128xf32>
    %get3A_27 = arith.constant 0 : index
    %get3A_28 = arith.constant 0 : index
    %get3A_29 = vector.load %arg6[%get3A_27, %get3A_28] : memref<128x128xf32, #tpu.memory_space<vmem>>, vector<128x128xf32>
    %dot_general3A_30 = arith.constant dense<0.000000e+00> : vector<200x128xf32>
    %dot_general3A_31 = tpu.matmul %reduce_sum3A_23, %get3A_29, %dot_general3A_30 {dimension_numbers = #tpu.dot_dimension_numbers<[1], [0], [0], [1], [0, 0, 1, 1], [], []>, transpose_lhs_hint = false} : vector<200x128xf32>, vector<128x128xf32>, vector<200x128xf32> -> vector<200x128xf32>
    %add3A_32 = arith.addf %get3A_26, %dot_general3A_31 : vector<200x128xf32>
    %get3A_33 = arith.constant 0 : index
    %get3A_34 = arith.constant 0 : index
    %get3A_35 = vector.load %arg7[%get3A_33, %get3A_34] : memref<1x128xf32, #tpu.memory_space<vmem>>, vector<1x128xf32>
    %add3A_36 = vector.broadcast %get3A_35 : vector<1x128xf32> to vector<200x128xf32>
    %add3A_37 = arith.addf %add3A_32, %add3A_36 : vector<200x128xf32>
    %swap3A = arith.constant 0 : index
    %swap3A_38 = arith.constant 0 : index
    %swap3A_39 = vector.load %arg8[%swap3A, %swap3A_38] : memref<200x128xf32, #tpu.memory_space<vmem>>, vector<200x128xf32>
    tpu.vector_store %arg8[%swap3A, %swap3A_38], %add3A_37 {strides = array<i32>} : memref<200x128xf32, #tpu.memory_space<vmem>>, vector<200x128xf32>,
    return
  }
  func.func @transform_0(%arg0: i32) -> (i32, i32) {
    %c0_i32 = arith.constant 0 : i32
    %c0_i32_0 = arith.constant 0 : i32
    return %arg0, %c0_i32 : i32, i32
  }
  func.func @transform_1(%arg0: i32) -> (i32, i32) {
    %c0_i32 = arith.constant 0 : i32
    %c0_i32_0 = arith.constant 0 : i32
    return %arg0, %c0_i32 : i32, i32
  }
  func.func @transform_2(%arg0: i32) -> (i32, i32) {
    %c0_i32 = arith.constant 0 : i32
    %c0_i32_0 = arith.constant 0 : i32
    return %arg0, %c0_i32 : i32, i32
  }
  func.func @transform_3(%arg0: i32) -> (i32, i32) {
    %c0_i32 = arith.constant 0 : i32
    %c0_i32_0 = arith.constant 0 : i32
    return %arg0, %c0_i32 : i32, i32
  }
  func.func @transform_4(%arg0: i32) -> (i32, i32) {
    %c0_i32 = arith.constant 0 : i32
    %c0_i32_0 = arith.constant 0 : i32
    %c0_i32_1 = arith.constant 0 : i32
    return %c0_i32, %c0_i32_0 : i32, i32
  }
  func.func @transform_5(%arg0: i32) -> (i32, i32) {
    %c0_i32 = arith.constant 0 : i32
    %c0_i32_0 = arith.constant 0 : i32
    %c0_i32_1 = arith.constant 0 : i32
    return %c0_i32, %c0_i32_0 : i32, i32
  }
  func.func @transform_6(%arg0: i32) -> (i32, i32) {
    %c0_i32 = arith.constant 0 : i32
    %c0_i32_0 = arith.constant 0 : i32
    %c0_i32_1 = arith.constant 0 : i32
    return %c0_i32, %c0_i32_0 : i32, i32
  }
  func.func @transform_7(%arg0: i32) -> (i32, i32) {
    %c0_i32 = arith.constant 0 : i32
    %c0_i32_0 = arith.constant 0 : i32
    return %arg0, %c0_i32 : i32, i32
  }
}

</mosaic_0001>

<sc_bundles>
// kernel: kernel.5.cloned.1.call-start
scs
__scs_entry_jumppad:
0x0: {  	(pc) =	sbr.rel $0x88, $3  }
0x1: {  	(tag) =	ssettag $0x0;
	lr =	simm.s32 $0x1  }
0x2: {  	[smem:$0x3F98] =	sst lr;
	_ =	strace $0xD0000000  }
0x3: {  	_ = 	snop  }
0x4: {  	_ = 	snop  }
0x5: {  	_ = 	snop  }
0x6: {  	_ = 	snop  }
0x7: {  	_ = 	snop  }
__scs_overlays_trampoline_lowered:
0x8: {  	[smem:$0x3FA7] =	sst s0  }
0x9: {  	[smem:$0x3FA8] =	sst s1  }
0xa: {  	[smem:$0x3FA9] =	sst s2  }
0xb: {  	[smem:$0x3FAA] =	sst s3  }
0xc: {  	[smem:$0x3FAB] =	sst s4  }
0xd: {  	[smem:$0x3FAC] =	sst s5  }
0xe: {  	[smem:$0x3FAD] =	sst s6  }
0xf: {  	[smem:$0x3FAE] =	sst s7  }
0x10: {  	[smem:$0x3FAF] =	sst s8  }
0x11: {  	[smem:$0x3FB0] =	sst s9;
	s0 =	simm.s32 @!p0 $0x0  }
0x12: {  	s1 =	sld [smem:$0x3F96];
	s0 =	simm.s32 @p0 $0x1  }
0x13: {  	[smem:$0x3FB1] =	sst s0;
	s0 =	simm.s32 @!p1 $0x0  }
0x14: {  	s2 =	sld [smem:$0x3F95];
	s0 =	simm.s32 @p1 $0x1  }
0x15: {  	[smem:$0x3FB2] =	sst s0;
	s0 =	simm.s32 @!p2 $0x0  }
0x16: {  	s3 =	sld [smem:$0x3FDB];
	s0 =	simm.s32 @p2 $0x1  }
0x17: {  	s4 =	simm.s32 $0x1BF5;
	[smem:$0x3FB4] =	sst s0  }
0x18: {  	s0 =	sld [smem:$0x3F97];
	_ =	swait.ge [sflag:s4], $0x0  }
0x19: {  	s7 =	sld [smem:$0x3F98]  }
0x1a: {  	s8 =	sadd.s32 $0xFFFFE003, lr  }
0x1b: {  	s9 =	sadd.s32 $0xFFFFFEF7, lr;
	s5 =	simm.s32 $0xFFFFFFFF;
	p2 =	slt.u32 s8, $0xFFFFF086  }
0x1c: {  	p1 =	slt.u32 s9, $0xF7A;
	s5 =	simm.s32 @!p2 $0x0  }
0x1d: {  	s5 =	simm.s32 @p1 $0x1;
	p0 =	seq.s32 s7, s2  }
0x1e: {  	s7 =	smul.u32 @!p0 $0xF7A, s2;
	p2 =	seq.s32 @!p0 s5, $0x0  }
0x1f: {  	s9 =	smul.u32 $0xF7A, s1;
	s8 =	simm.s32 @!p0 $0x1BF5;
	p2 =	por !p2, p0  }
0x20: {  	[sflag:s8] =	ssyncset.s32 @!p0 $0xFFFFF086;
	s6 =	sadd.s32 @!p0 s3, s7;
	s7 =	simm.s32 @!p0 $0x108  }
0x21: {  	s3 =	sadd.s32 s3, s9;
	s6 =	sadd.s32 @!p0 $0x88, s6;
	s7 =	simm.s32 @p2 $0x1082  }
0x22: {  	[simem:s7], [sflag:s8] =	dma.local @!p0 [hbm:s6], $0xF7A  }
0x23: {  	s9 =	sor.u32 $0xD0000000, s2;
	s6 =	simm.s32 $0x108;
	_ =	swait.ge @!p0 [sflag:s8], $0x0  }
0x24: {  	s3 =	sadd.s32 $0x88, s3;
	s6 =	simm.s32 @!p1 $0x1082;
	[sflag:s4] =	ssyncset.s32 $0xFFFFF086  }
0x25: {  	[simem:s6], [sflag:s4] =	dma.local [hbm:s3], $0xF7A  }
0x26: {  	[smem:$0x3F98] =	sst s1;
	(tag) =	ssettag s2;
	_ =	strace s9  }
0x27: {  	s1 =	sld [smem:$0x3FA8]  }
0x28: {  	s2 =	sld [smem:$0x3FA9]  }
0x29: {  	s4 =	sld [smem:$0x3FAB]  }
0x2a: {  	p0 =	seq.s32 s5, $0x0;
	s5 =	sld [smem:$0x3FAC]  }
0x2b: {  	s6 =	sld [smem:$0x3FAD]  }
0x2c: {  	s7 =	sld [smem:$0x3FAE]  }
0x2d: {  	s3 =	simm.s32 $0x108;
	s8 =	sld [smem:$0x3FAF]  }
0x2e: {  	s3 =	simm.s32 @!p0 $0x1082;
	s9 =	sld [smem:$0x3FB0]  }
0x2f: {  	lr =	sadd.s32 s0, s3;
	s0 =	sld [smem:$0x3FA7]  }
0x30: {  	s3 =	sld [smem:$0x3FAA]  }
0x31: {  	[smem:$0x3FB3] =	sst s10  }
0x32: {  	s10 =	sld [smem:$0x3FB1];
	_ =	sdelay $0x3  }
0x33: {  	p0 =	seq.s32 s10, $0x1;
	s10 =	sld [smem:$0x3FB3];
	_ =	sdelay $0x3  }
0x34: {  	[smem:$0x3FB3] =	sst s10  }
0x35: {  	s10 =	sld [smem:$0x3FB2];
	_ =	sdelay $0x3  }
0x36: {  	p1 =	seq.s32 s10, $0x1;
	s10 =	sld [smem:$0x3FB3];
	_ =	sdelay $0x3  }
0x37: {  	[smem:$0x3FB3] =	sst s10  }
0x38: {  	s10 =	sld [smem:$0x3FB4]  }
0x39: {  	_ = 	snop;
	(pc) =	sbr.ind lr, $3  }
0x3a: {  	_ = 	snop  }
0x3b: {  	_ = 	snop  }
0x3c: {  	p2 =	seq.s32 s10, $0x1;
	s10 =	sld [smem:$0x3FB3]  }
0x3d: {  	_ =	shalt  }
0x3e: {  	_ =	shalt  }
0x3f: {  	_ =	shalt  }
0x40: {  	_ =	shalt  }
0x41: {  	_ =	shalt  }
0x42: {  	_ =	shalt  }
0x43: {  	_ =	shalt  }
0x44: {  	_ =	shalt  }
0x45: {  	_ =	shalt  }
0x46: {  	_ =	shalt  }
0x47: {  	_ =	shalt  }
0x48: {  	_ =	shalt  }
0x49: {  	_ =	shalt  }
0x4a: {  	_ =	shalt  }
0x4b: {  	_ =	shalt  }
0x4c: {  	_ =	shalt  }
0x4d: {  	_ =	shalt  }
0x4e: {  	_ =	shalt  }
0x4f: {  	_ =	shalt  }
0x50: {  	_ =	shalt  }
0x51: {  	_ =	shalt  }
0x52: {  	_ =	shalt  }
0x53: {  	_ =	shalt  }
0x54: {  	_ =	shalt  }
0x55: {  	_ =	shalt  }
0x56: {  	_ =	shalt  }
0x57: {  	_ =	shalt  }
0x58: {  	_ =	shalt  }
0x59: {  	_ =	shalt  }
0x5a: {  	_ =	shalt  }
0x5b: {  	_ =	shalt  }
0x5c: {  	_ =	shalt  }
0x5d: {  	_ =	shalt  }
0x5e: {  	_ =	shalt  }
0x5f: {  	_ =	shalt  }
0x60: {  	_ =	shalt  }
0x61: {  	_ =	shalt  }
0x62: {  	_ =	shalt  }
0x63: {  	_ =	shalt  }
0x64: {  	_ =	shalt  }
0x65: {  	_ =	shalt  }
0x66: {  	_ =	shalt  }
0x67: {  	_ =	shalt  }
0x68: {  	_ =	shalt  }
0x69: {  	_ =	shalt  }
0x6a: {  	_ =	shalt  }
0x6b: {  	_ =	shalt  }
0x6c: {  	_ =	shalt  }
0x6d: {  	_ =	shalt  }
0x6e: {  	_ =	shalt  }
0x6f: {  	_ =	shalt  }
0x70: {  	_ =	shalt  }
0x71: {  	_ =	shalt  }
0x72: {  	_ =	shalt  }
0x73: {  	_ =	shalt  }
0x74: {  	_ =	shalt  }
0x75: {  	_ =	shalt  }
0x76: {  	_ =	shalt  }
0x77: {  	_ =	shalt  }
0x78: {  	_ =	shalt  }
0x79: {  	_ =	shalt  }
0x7a: {  	_ =	shalt  }
0x7b: {  	_ =	shalt  }
0x7c: {  	_ =	shalt  }
0x7d: {  	_ =	shalt  }
0x7e: {  	_ =	shalt  }
0x7f: {  	_ =	shalt  }
0x80: {  	_ =	shalt  }
0x81: {  	_ =	shalt  }
0x82: {  	_ =	shalt  }
0x83: {  	_ =	shalt  }
0x84: {  	_ =	shalt  }
0x85: {  	_ =	shalt  }
0x86: {  	_ =	shalt  }
0x87: {  	_ =	shalt  }
.Lfunc_end0:
.L_simem_size_0:
called_computation_lowered:
.L_overlay_start_0:
0x88: {  	s2 =	sld [smem:$0x3FD9]  }
0x89: {  	s3 =	sld [smem:$0x3FFE];
	_ =	sdelay $0x1  }
0x8a: {  	s1 =	srdreg.scid  }
0x8b: {  	s0 =	sand.u32 $0x1, s1  }
0x8c: {  	s17 =	sshll.u32 s0, $0xA;
	s2 =	sadd.s32 s3, s2  }
0x8d: {  	s2 =	sadd.s32 s2, s17  }
0x8e: {  	[smem:$0x3FBF] =	sst s2  }
0x8f: {  	_ = 	snop  }
0x90: {  	s2 =	sld [smem:$0x3FD0];
	(tm) =	ssettm $0x1  }
0x91: {  	s18 =	sld [smem:$0x3FFB];
	_ =	sdelay $0x3  }
0x92: {  	_ =	strace s18  }
0x93: {  	s3 =	sld [smem:$0x3FFC];
	_ =	sdelay $0x3  }
0x94: {  	_ =	strace s3  }
0x95: {  	s3 =	sld [smem:$0x3FFD];
	_ =	sdelay $0x3  }
0x96: {  	_ =	strace s3  }
0x97: {  	_ =	strace $0x8FFFFFFF  }
0x98: {  	s19 =	sld [smem:$0x3FDB];
	_ =	sdelay $0x1  }
0x99: {  	s4 =	simm.s32 $_scs_section_size  }
0x9a: {  	s5 =	simm.s32 $_size__tile_overlayer_lowered;
	s6 =	simm.s32 $_tile_overlayer_lowered  }
0x9b: {  	s22 =	simm.s32 $0x1BFF;
	s21 =	sshll.u32 s6, $0x1;
	s3 =	sadd.s32 s4, s19  }
0x9c: {  	s7 =	simm.s32 $0x0;
	s20 =	sshll.u32 s5, $0x1;
	s5 =	sadd.s32 s21, s3  }
0x9d: {  	[timem:s7], [sflag:s22] =	dma.local [hbm:s5], s20  }
0x9e: {  	_ =	swait.ge [sflag:s22], s20  }
0x9f: {  	s4 =	ssub.s32 $0x0, s20;
	[sflag:s22] =	ssyncset.done $0x0  }
0xa0: {  	[sflag:s22] =	ssyncadd.s32 s4;
	_ =	sdelay $0x1  }
0xa1: {  	s23 =	simm.s32 $0x1B8B  }
0xa2: {  	_ =	swait.ge [sflag:s23], $0x1  }
0xa3: {  	[sflag:s23] =	ssyncset.done $0x0  }
0xa4: {  	s25 =	simm.s32 $0x1B8E;
	s24 =	sld [smem:$0x3FFE];
	[sflag:s23] =	ssyncadd.s32 $0xFFFFFFFF  }
0xa5: {  	s26 =	simm.s32 $execute0_lowered;
	[smem:$0x3FD2] =	sst s25  }
0xa6: {  	s5 =	sshll.u32 s26, $0x1;
	_ =	strace $0x80000046;
	[dreg:$0x1] =	wrdreg $0xFFFFFFFF  }
0xa7: {  	s28 =	simm.s32 $_size_execute0_lowered;
	s3 =	sadd.s32 s3, s5;
	[dreg:$0x0] =	wrdreg $0x0  }
0xa8: {  	s5 =	sshll.u32 s28, $0x1;
	[dreg:$0x2] =	wrdreg s3  }
0xa9: {  	[dreg:$0x3] =	wrdreg s5  }
0xaa: {  	[dreg:$0x4] =	wrdreg $0xC0  }
0xab: {  	_ =	task [dreg:s7], $0x5FFFF  }
0xac: {  	[dreg:$0x1] =	wrdreg $0xFFFFFFFF  }
0xad: {  	[dreg:$0x0] =	wrdreg $0x60  }
0xae: {  	[dreg:$0x2] =	wrdreg s2  }
0xaf: {  	[dreg:$0x3] =	wrdreg s24  }
0xb0: {  	[dreg:$0x4] =	wrdreg $0x9  }
0xb1: {  	_ =	task.clear_ibuf [dreg:s7], $0x5FFFF;
	_ =	strace $0x90000046  }
0xb2: {  	s29 =	simm.s32 $0x9;
	_ =	strace $0x80000048  }
0xb3: {  	_ =	swait.ge [sflag:s29], $0x1  }
0xb4: {  	[sflag:s29] =	ssyncadd.s32 $0xFFFFFFFF  }
0xb5: {  	_ =	strace $0x90000048  }
0xb6: {  	_ =	sfence  }
0xb7: {  	s30 =	sld [smem:$0x0];
	_ =	sdelay $0x2  }
0xb8: {  	s31 =	sshll.u32 s1, $0xD;
	s1 =	sshrl.u32 s1, $0x2  }
0xb9: {  	s3 =	sand.u32 $0x4000, s31;
	s1 =	sadd.s32 s1, s30  }
0xba: {  	s0 =	sor.u32 s3, s0;
	s1 =	sshll.u32 s1, $0x11  }
0xbb: {  	s0 =	sor.u32 s1, s0  }
0xbc: {  	s0 =	sadd.s32 $0x8F2B, s0  }
0xbd: {  	[sflag:s0] =	ssyncadd.remote.s32 $0x1  }
0xbe: {  	_ =	sfence.sel $0xFFFF  }
0xbf: {  	[dreg:$0x0] =	wrdreg $0xFFFFFFFF;
	(pc) =	sbr.abs _section_cstart, $3  }
0xc0: {  	[dreg:$0x1] =	wrdreg $0xFFFFFFFF  }
0xc1: {  	_ =	task.clear_ibuf [dreg:s7], $0x2FFFF;
	_ =	strace $0x9FFFFFFF  }
0xc2: {  	(tm) =	ssettm $0x7FFFFFFF  }
0xc3: {  	_ =	shalt  }
tec
execute0_lowered:
.L_overlay_start_1:
0x0: {  	(tag) =	ssettag $0x1  }
0x1: {  	s20 =	stileid.u32  }
0x2: {  	s0 =	srdreg.scid;
	s17 =	smul.u32 $0x271000, s20  }
0x3: {  	s0 =	sand.u32 $0x1, s0;
	s1 =	sshll.u32 s20, $0x1;
	s20 =	smul.u32 $0x4E20, s20  }
0x4: {  	s2 =	rddreg [dreg:$0x0];
	s19 =	smul.u32 $0x138800, s0  }
0x5: {  	s1 =	sor.u32 s0, s1;
	s7 =	ssub.s32 $0x2, s0;
	s0 =	smul.u32 $0x2710, s0  }
0x6: {  	s5 =	rddreg [dreg:$0x1];
	s4 =	smul.u32 $0x320, s1  }
0x7: {  	s3 =	simm.s32 $0x0;
	s21 =	simm.s32 $0x6;
	s8 =	smul.u32 $0x19, s1  }
0x8: {  	s28 =	simm.s32 $0x4;
	s29 =	simm.s32 $0x0;
	s9 =	smul.u32 $0x2710, s1  }
0x9: {  	[smem:$0x7FF] =	sst s3;
	s11 =	sshrl.u32 s7, $0x1;
	s12 =	smul.u32 $0x4E2, s1  }
0xa: {  	_ =	strace $0x80000047;
	s1 =	smul.u32 $0x27100, s1;
	s11 =	ssub.s32 s7, s11  }
0xb: {  	s30 =	sadd.s32 s19, s17;
	s0 =	sadd.s32 s0, s20;
	s19 =	simm.s32 $0x200  }
0xc: {  	s20 =	simm.s32 $0x5;
	s6 =	sadd.s32 $0x320, s4;
	s4 =	sadd.s32 $0x1E00, s5  }
0xd: {  	s5 =	sadd.s32 $0x32E00, s5;
	s9 =	sshrl.u32 s9, $0x3;
	[dreg:$0x6] =	wrdreg s30  }
0xe: {  	[dreg:$0x7] =	wrdreg s0;
	s10 =	sshrl.u32 s6, $0x5;
	s31 =	sadd.s32 s4, s12  }
0xf: {  	s14 =	sadd.s32 s4, s9;
	s9 =	simm.s32 $0x1;
	s6 =	ssub.s32 s10, s8  }
0x10: {  	p0 =	sne.s32 s10, s8;
	s25 =	sadd.s32 $0x32, s14;
	s10 =	smul.u32 $0xC800, s10  }
0x11: {  	s13 =	sand.u32 $0x8000, s6;
	s24 =	sshra.s32 s6, $0x1F;
	s9 =	simm.s32 @!p0 $0x0  }
0x12: {  	[dreg:$0x3] =	wrdreg s25;
	s25 =	simm.s32 $0x2;
	s13 =	sshrl.u32 s13, $0xF  }
0x13: {  	s10 =	sadd.s32 $0xFFFF3800, s10;
	s22 =	sadd.s32 s13, s6;
	s13 =	sor.u32 s9, s24  }
0x14: {  	s9 =	simm.s32 $0x1;
	s10 =	sshrl.u32 s10, $0x3;
	s23 =	sand.u32 $0xFFFFFFFE, s22  }
0x15: {  	s24 =	simm.s32 $0x3;
	p6 =	sne.s32 s13, $0x1;
	s15 =	ssub.s32 s6, s23  }
0x16: {  	s12 =	sshll.u32 s22, $0x10;
	s13 =	simm.s32 $0x1;
	s16 =	sand.u32 $0xFFFF, s15  }
0x17: {  	s10 =	sadd.s32 s5, s10;
	s22 =	simm.s32 $0x190;
	p1 =	sne.s32 s16, $0x0  }
0x18: {  	s12 =	sshra.s32 s12, $0x11;
	s18 =	sand.u32 $0x1, s15;
	p0 =	por !p1, !p6  }
0x19: {  	s23 =	simm.s32 $0x400;
	p2 =	seq.s32 s18, $0x0;
	p0 =	por !p0, !p0  }
0x1a: {  	s15 =	smax.u32 s11, $0x1;
	p5 =	seq.s32 @!p2 s6, $0x1;
	s13 =	simm.s32 @!p0 $0x0  }
0x1b: {  	s11 =	sadd.s32 $0x64, s14;
	p5 =	por p5, p2;
	s16 =	ssub.s32 s12, s13  }
0x1c: {  	s12 =	sadd.s32 s5, s1;
	s13 =	sadd.s32 $0x96, s14;
	p0 =	slt.s32 s16, $0x1  }
.Ltmp0:
0x1d: {  	s26 =	sadd.s32 $0xFFFFFFFF, s16;
	p4 =	seq.s32 @!p0 s16, $0x1;
	(pc) =	sbr.rel .LBB2_1-.Ltmp0, $4  }
0x1e: {  	s14 =	sadd.s32 $0x1900, s12;
	[dreg:$0x5] =	wrdreg s26;
	p6 =	por p0, p4  }
0x1f: {  	p1 =	slt.s32 @!p0 s6, $0x3;
	p3 =	slt.s32 @!p0 s6, $0x4;
	s0 =	simm.s32 @!p6 $0x0  }
0x20: {  	s26 =	simm.s32 $0xCC00;
	[dreg:$0x4] =	wrdreg s14;
	s0 =	simm.s32 @p6 $0x1  }
0x21: {  	p1 =	por p1, p0;
	p3 =	por p3, p0;
	[smem:$0x7FD] =	sst s0  }
.LBB2_4:
0x22: {  	s1 =	sadd.s32 s5, s16;
	s30 =	sld [smem:$0x7FD]  }
0x23: {  	s31 =	smov.u32 s12;
	s10 =	smov.u32 s14;
	s11 =	smov.u32 s17  }
0x24: {  	[hbm4b:s1+s3] =	stream.linear.scatter [tilespmem:s26], [sflag:$0x6], $0xC800, $0x38;
	[tilespmem:$0x19400] =	vst v63  }
0x25: {  	s12 =	smov.u32 s0;
	s14 =	rddreg [dreg:$0x4];
	p6 =	seq.s32 s30, $0x1  }
.LBB2_5:
0x26: {  	s1 =	simm.s32 @!p5 $0x5  }
0x27: {  	_ =	swait.ge @!p5 [sflag:s1], $0xC800  }
0x28: {  	[sflag:s1] =	ssyncset.done @!p5 $0x0  }
0x29: {  	[sflag:s1] =	ssyncadd.s32 @!p5 $0xFFFF3800;
	s1 =	simm.s32 @!p2 $0x1  }
0x2a: {  	_ =	swait.ge @!p2 [sflag:s1], $0x190  }
0x2b: {  	s7 =	simm.s32 @!p2 $0x0;
	[sflag:s1] =	ssyncset.done @!p2 $0x0  }
0x2c: {  	s8 =	simm.s32 @!p2 $0x400;
	[sflag:s1] =	ssyncadd.s32 @!p2 $0xFFFFFE70;
	s1 =	simm.s32 @!p2 $0x190  }
0x2d: {  	[tilespmem:s8], [sflag:$0x3] =	stream.indirect.gather @!p2 [hbm4b:s2+s1], $0x80, s7, s1, $0xb8;
	[tilespmem:$0x19400] =	vst v63  }
0x2e: {  	s1 =	simm.s32 @!p2 $0x3  }
0x2f: {  	_ =	swait.ge @!p2 [sflag:s1], $0xC800  }
0x30: {  	[sflag:s1] =	ssyncset.done @!p2 $0x0  }
0x31: {  	s29 =	sadd.s32 $0x1, s29;
	[sflag:s1] =	ssyncadd.s32 @!p2 $0xFFFF3800  }
0x32: {  	[hbm4b:s10+s7] =	stream.linear.scatter @!p2 [tilespmem:s8], [sflag:$0x5], $0xC800, $0x38;
	[tilespmem:$0x19400] =	vst v63  }
0x33: {  	p4 =	sne.s32 s29, s15;
	_ =	swait.ge [sflag:s20], $0xC800  }
.Ltmp1:
0x34: {  	[sflag:s20] =	ssyncset.done $0x0;
	(pc) =	sbr.rel @!p4 .LBB2_6-.Ltmp1, $4  }
0x35: {  	[sflag:s20] =	ssyncadd.s32 $0xFFFF3800  }
0x36: {  	_ =	swait.ge [sflag:s21], $0xC800  }
0x37: {  	[sflag:s21] =	ssyncset.done $0x0  }
0x38: {  	[sflag:s21] =	ssyncadd.s32 $0xFFFF3800  }
.LBB2_1:
0x39: {  	[tilespmem:s3], [sflag:$0x1] =	stream.linear.gather [hbm4b:s31+s3], $0x190, $0x38;
	[tilespmem:$0x19400] =	vst v63  }
0x3a: {  	s1 =	rddreg [dreg:$0x3]  }
0x3b: {  	[tilespmem:s19], [sflag:$0x2] =	stream.linear.gather [hbm4b:s1+s3], $0x190, $0x38;
	[tilespmem:$0x19400] =	vst v63  }
0x3c: {  	s1 =	simm.s32 @!p0 $0x1  }
0x3d: {  	_ =	swait.ge @!p0 [sflag:s1], $0x190  }
0x3e: {  	s16 =	simm.s32 @!p0 $0x0;
	s18 =	simm.s32 @!p0 $0x400;
	[sflag:s1] =	ssyncset.done @!p0 $0x0  }
0x3f: {  	s30 =	simm.s32 @!p0 $0x3;
	[sflag:s1] =	ssyncadd.s32 @!p0 $0xFFFFFE70;
	s1 =	simm.s32 @!p0 $0x190  }
0x40: {  	[tilespmem:s18], [sflag:$0x3] =	stream.indirect.gather @!p0 [hbm4b:s2+s1], $0x80, s16, s1, $0xb8;
	[tilespmem:$0x19400] =	vst v63  }
0x41: {  	_ =	swait.ge @!p0 [sflag:s30], $0xC800  }
0x42: {  	[sflag:s30] =	ssyncset.done @!p0 $0x0  }
0x43: {  	[sflag:s30] =	ssyncadd.s32 @!p0 $0xFFFF3800;
	s30 =	simm.s32 @!p1 $0x0  }
0x44: {  	[tilespmem:s30], [sflag:$0x1] =	stream.linear.gather @!p1 [hbm4b:s11+s30], $0x190, $0x38;
	[tilespmem:$0x19400] =	vst v63  }
0x45: {  	_ = 	snop  }
0x46: {  	[hbm4b:s12+s16] =	stream.linear.scatter @!p0 [tilespmem:s18], [sflag:$0x5], $0xC800, $0x38;
	[tilespmem:$0x19400] =	vst v63  }
0x47: {  	s18 =	simm.s32 @!p0 $0x2  }
0x48: {  	_ =	swait.ge @!p0 [sflag:s18], $0x190  }
0x49: {  	[sflag:s18] =	ssyncset.done @!p0 $0x0  }
0x4a: {  	s30 =	simm.s32 @!p0 $0xCC00;
	[sflag:s18] =	ssyncadd.s32 @!p0 $0xFFFFFE70;
	s18 =	simm.s32 @!p0 $0x200  }
0x4b: {  	[tilespmem:s30], [sflag:$0x4] =	stream.indirect.gather @!p0 [hbm4b:s2+s1], $0x80, s18, s1, $0xb8;
	[tilespmem:$0x19400] =	vst v63  }
0x4c: {  	s1 =	simm.s32 @!p0 $0x4  }
0x4d: {  	_ =	swait.ge @!p0 [sflag:s1], $0xC800  }
.Ltmp2:
0x4e: {  	[sflag:s1] =	ssyncset.done @!p0 $0x0;
	(pc) =	sbr.rel @p6 .LBB2_5-.Ltmp2, $4  }
0x4f: {  	s18 =	simm.s32 @!p3 $0x200;
	[sflag:s1] =	ssyncadd.s32 @!p0 $0xFFFF3800;
	s1 =	simm.s32 @!p3 $0x0  }
0x50: {  	[tilespmem:s18], [sflag:$0x2] =	stream.linear.gather @!p3 [hbm4b:s13+s1], $0x190, $0x38;
	[tilespmem:$0x19400] =	vst v63  }
0x51: {  	_ = 	snop  }
0x52: {  	[hbm4b:s14+s16] =	stream.linear.scatter @!p0 [tilespmem:s30], [sflag:$0x6], $0xC800, $0x38;
	[tilespmem:$0x19400] =	vst v63  }
0x53: {  	_ =	swait.ge [sflag:s20], $0xC800  }
0x54: {  	[sflag:s20] =	ssyncset.done $0x0  }
0x55: {  	[sflag:s20] =	ssyncadd.s32 $0xFFFF3800  }
0x56: {  	_ =	swait.ge [sflag:s9], $0x190  }
0x57: {  	[sflag:s9] =	ssyncset.done $0x0  }
0x58: {  	[sflag:s9] =	ssyncadd.s32 $0xFFFFFE70  }
0x59: {  	[tilespmem:s23], [sflag:$0x3] =	stream.indirect.gather [hbm4b:s2+s22], $0x80, s3, s22, $0xb8;
	[tilespmem:$0x19400] =	vst v63  }
0x5a: {  	_ =	swait.ge [sflag:s24], $0xC800  }
0x5b: {  	p4 =	sle.s32 s6, $0x4;
	s8 =	rddreg [dreg:$0x7]  }
0x5c: {  	s16 =	simm.s32 @!p4 $0x0;
	s7 =	rddreg [dreg:$0x6];
	s1 =	sadd.s32 @!p4 $0x640, s8  }
0x5d: {  	[sflag:s24] =	ssyncset.done $0x0;
	s30 =	sadd.s32 $0x19000, s7;
	s1 =	sshrl.u32 @!p4 s1, $0x3  }
0x5e: {  	[sflag:s24] =	ssyncadd.s32 $0xFFFF3800;
	s18 =	sshrl.u32 s30, $0x3;
	s1 =	sadd.s32 @!p4 s4, s1  }
0x5f: {  	[tilespmem:s16], [sflag:$0x1] =	stream.linear.gather @!p4 [hbm4b:s1+s16], $0x190, $0x38;
	[tilespmem:$0x19400] =	vst v63  }
0x60: {  	s17 =	smov.u32 s11;
	s11 =	sadd.s32 s5, s18  }
0x61: {  	[hbm4b:s11+s3] =	stream.linear.scatter [tilespmem:s23], [sflag:$0x5], $0xC800, $0x38;
	[tilespmem:$0x19400] =	vst v63  }
0x62: {  	_ =	swait.ge [sflag:s21], $0xC800  }
0x63: {  	[sflag:s21] =	ssyncset.done $0x0  }
0x64: {  	[sflag:s21] =	ssyncadd.s32 $0xFFFF3800  }
0x65: {  	_ =	swait.ge [sflag:s25], $0x190  }
0x66: {  	s0 =	smov.u32 s12;
	p4 =	sle.s32 s6, $0x5;
	[sflag:s25] =	ssyncset.done $0x0  }
0x67: {  	s12 =	smov.u32 s31;
	s1 =	sadd.s32 @!p4 $0x7D0, s8;
	[sflag:s25] =	ssyncadd.s32 $0xFFFFFE70  }
0x68: {  	[tilespmem:s26], [sflag:$0x4] =	stream.indirect.gather [hbm4b:s2+s22], $0x80, s19, s22, $0xb8;
	[tilespmem:$0x19400] =	vst v63  }
0x69: {  	s1 =	sshrl.u32 @!p4 s1, $0x3;
	s16 =	rddreg [dreg:$0x5];
	_ =	swait.ge [sflag:s28], $0xC800  }
0x6a: {  	s18 =	simm.s32 @!p4 $0x0;
	s1 =	sadd.s32 @!p4 s4, s1;
	[sflag:s28] =	ssyncset.done $0x0  }
0x6b: {  	s31 =	sadd.s32 $0xFFFFFFFF, s16;
	s16 =	simm.s32 @!p4 $0x200;
	[sflag:s28] =	ssyncadd.s32 $0xFFFF3800  }
0x6c: {  	[tilespmem:s16], [sflag:$0x2] =	stream.linear.gather @!p4 [hbm4b:s1+s18], $0x190, $0x38;
	[tilespmem:$0x19400] =	vst v63  }
0x6d: {  	p4 =	sne.s32 s31, $0x0  }
.Ltmp3:
0x6e: {  	_ = 	snop;
	(pc) =	sbr.rel @!p4 .LBB2_4-.Ltmp3, $3  }
0x6f: {  	_ =	sdelay $0x1  }
0x70: {  	s14 =	smov.u32 s10;
	s18 =	sadd.s32 $0x25800, s7  }
0x71: {  	s1 =	simm.s32 $0x6;
	s16 =	sshrl.u32 s18, $0x3;
	s18 =	smov.u32 s8  }
.LBB2_3:
0x72: {  	s31 =	sadd.s32 $0xFFFFFFFF, s31;
	s16 =	sadd.s32 s5, s16;
	s18 =	sadd.s32 $0x320, s18  }
0x73: {  	[hbm4b:s16+s3] =	stream.linear.scatter [tilespmem:s26], [sflag:$0x6], $0xC800, $0x38;
	[tilespmem:$0x19400] =	vst v63  }
0x74: {  	p6 =	sne.s32 s31, $0x0;
	s16 =	smov.u32 s30;
	_ =	swait.ge [sflag:s20], $0xC800  }
0x75: {  	[sflag:s20] =	ssyncset.done $0x0  }
0x76: {  	[sflag:s20] =	ssyncadd.s32 $0xFFFF3800  }
0x77: {  	_ =	swait.ge [sflag:s9], $0x190  }
0x78: {  	[sflag:s9] =	ssyncset.done $0x0  }
0x79: {  	p4 =	sge.s32 s1, s6;
	[sflag:s9] =	ssyncadd.s32 $0xFFFFFE70  }
0x7a: {  	[tilespmem:s23], [sflag:$0x3] =	stream.indirect.gather [hbm4b:s2+s22], $0x80, s3, s22, $0xb8;
	[tilespmem:$0x19400] =	vst v63  }
0x7b: {  	s7 =	sadd.s32 @!p4 $0x640, s18;
	s8 =	simm.s32 @!p4 $0x0;
	_ =	swait.ge [sflag:s24], $0xC800  }
0x7c: {  	s30 =	sadd.s32 $0x19000, s30;
	s7 =	sshrl.u32 @!p4 s7, $0x3;
	[sflag:s24] =	ssyncset.done $0x0  }
0x7d: {  	s10 =	sshrl.u32 s30, $0x3;
	s7 =	sadd.s32 @!p4 s4, s7;
	[sflag:s24] =	ssyncadd.s32 $0xFFFF3800  }
0x7e: {  	[tilespmem:s8], [sflag:$0x1] =	stream.linear.gather @!p4 [hbm4b:s7+s8], $0x190, $0x38;
	[tilespmem:$0x19400] =	vst v63  }
0x7f: {  	s7 =	sadd.s32 s5, s10  }
0x80: {  	[hbm4b:s7+s3] =	stream.linear.scatter [tilespmem:s23], [sflag:$0x5], $0xC800, $0x38;
	[tilespmem:$0x19400] =	vst v63  }
0x81: {  	_ =	swait.ge [sflag:s21], $0xC800  }
0x82: {  	[sflag:s21] =	ssyncset.done $0x0  }
0x83: {  	[sflag:s21] =	ssyncadd.s32 $0xFFFF3800  }
0x84: {  	_ =	swait.ge [sflag:s25], $0x190  }
0x85: {  	s7 =	sadd.s32 $0x1, s1;
	[sflag:s25] =	ssyncset.done $0x0  }
0x86: {  	p4 =	sge.s32 s7, s6;
	[sflag:s25] =	ssyncadd.s32 $0xFFFFFE70  }
0x87: {  	[tilespmem:s26], [sflag:$0x4] =	stream.indirect.gather [hbm4b:s2+s22], $0x80, s19, s22, $0xb8;
	[tilespmem:$0x19400] =	vst v63  }
.Ltmp4:
0x88: {  	s7 =	sadd.s32 $0x25800, s16;
	_ =	swait.ge [sflag:s28], $0xC800;
	(pc) =	sbr.rel @p6 .LBB2_3-.Ltmp4, $4  }
0x89: {  	s8 =	sadd.s32 @!p4 $0x7D0, s18;
	s10 =	simm.s32 @!p4 $0x200;
	[sflag:s28] =	ssyncset.done $0x0  }
0x8a: {  	s11 =	simm.s32 @!p4 $0x0;
	s8 =	sshrl.u32 @!p4 s8, $0x3;
	[sflag:s28] =	ssyncadd.s32 $0xFFFF3800  }
0x8b: {  	s1 =	sadd.s32 $0x2, s1;
	s16 =	sshrl.u32 s7, $0x3;
	s8 =	sadd.s32 @!p4 s4, s8  }
0x8c: {  	[tilespmem:s10], [sflag:$0x2] =	stream.linear.gather @!p4 [hbm4b:s8+s11], $0x190, $0x38;
	[tilespmem:$0x19400] =	vst v63  }
.Ltmp5:
0x8d: {  	_ = 	snop;
	(pc) =	sbr.rel .LBB2_4-.Ltmp5, $1  }
0x8e: {  	_ =	sdelay $0x3  }
.LBB2_6:
0x8f: {  	_ =	sfence.sel $0x180000  }
0x90: {  	[bflag:$0x0] =	sbarrier.arrive $0xFFFF  }
0x91: {  	_ =	strace $0x90000047  }
0x92: {  	s0 =	stileid.u32;
	[bflag:$0x2] =	sbarrier.arrive $0xFFFF  }
0x93: {  	p0 =	sne.s32 s0, $0x0;
	s0 =	rddreg [dreg:$0x2]  }
0x94: {  	s0 =	sadd.s32 @!p0 $0x100000, s0  }
0x95: {  	[sflag:s0] =	ssyncadd.tile.s32 @!p0 $0x1;
	_ =	shalt  }
.Lfunc_end2:
_tile_overlayer_lowered:
.L_overlay_start_2:
0x96: {  	(tag) =	ssettag $0x2  }
0x97: {  	s0 =	rddreg [dreg:$0x0];
	s2 =	stileid.u32  }
0x98: {  	s1 =	rddreg [dreg:$0x1];
	p0 =	sne.s32 s2, $0x0  }
0x99: {  	s3 =	rddreg [dreg:$0x2];
	[bflag:$0x3] =	sbarrier.arrive $0xFFFF;
	s2 =	simm.s32 @!p0 $0x1C07  }
0x9a: {  	[timem:s3], [sflag:s2] =	dma.local @!p0 [hbm:s0], s1  }
0x9b: {  	s0 =	simm.s32 @!p0 $0x7  }
0x9c: {  	_ =	swait.ge @!p0 [sflag:s0], s1  }
0x9d: {  	s1 =	ssub.s32 @!p0 $0x0, s1;
	[sflag:s0] =	ssyncset.done @!p0 $0x0  }
0x9e: {  	[sflag:s0] =	ssyncadd.s32 @!p0 s1  }
0x9f: {  	[bflag:$0x3] =	sbarrier.arrive $0xFFFF  }
0xa0: {  	_ =	shalt  }

</sc_bundles>
